<compile_context>
chip_gen: v7x
topology: tpu7x:2x2x1
jax: 0.10.2.dev20260603
libtpu: 0.0.44.dev20260713+nightly
codegen_flags: <defaults>
</compile_context>

<pallas_src>
import functools

import jax
import jax.numpy as jnp
from jax import lax
from jax.experimental import pallas as pl
from jax.experimental.pallas import tpu as pltpu
from jax.experimental.pallas import tpu_sc as plsc

_B, _C, _H, _W = 8, 19, 512, 512
_N = _B * _H * _W
_K = 350000
_THRESH = 0.6
_B6 = 0x3F19999A
_C1 = _B6 >> 15
_C2 = _B6 & 32767
_NC, _NS, _L = 2, 16, 16
_NW = _NC * _NS
_PER_W = _N // _NW
_CHUNK = 4096
_NBINS = 32768
_UNROLL = 4
_HB = 128

_MESH = dict(core_axis_name="c", subcore_axis_name="s",
             num_cores=_NC, num_subcores=_NS)
_SC_PARAMS = pltpu.CompilerParams(needs_layout_passes=False)


def _ce_stage(score, target):

    def body(s_ref, t_ref, p_ref, l_ref):
        s = s_ref[...]
        t = t_ref[...]
        m = jnp.max(s, axis=1)
        e = jnp.sum(jnp.exp(s - m[:, None]), axis=1)
        lse = m + jnp.log(e)
        cio = lax.broadcasted_iota(jnp.int32, s.shape, 1)
        st = jnp.sum(jnp.where(cio == t[:, None], s, 0.0), axis=1)
        l = lse - st
        l_ref[...] = l
        p_ref[...] = jnp.exp(-l)

    p, l = pl.pallas_call(
        body,
        grid=(_B, _H // _HB),
        in_specs=[
            pl.BlockSpec((1, _C, _HB, _W), lambda b, h: (b, 0, h, 0)),
            pl.BlockSpec((1, _HB, _W), lambda b, h: (b, h, 0)),
        ],
        out_specs=[
            pl.BlockSpec((1, _HB, _W), lambda b, h: (b, h, 0)),
            pl.BlockSpec((1, _HB, _W), lambda b, h: (b, h, 0)),
        ],
        out_shape=[
            jax.ShapeDtypeStruct((_B, _H, _W), jnp.float32),
            jax.ShapeDtypeStruct((_B, _H, _W), jnp.float32),
        ],
    )(score, target)
    return p.reshape(_N), l.reshape(_N)


def _worker_id():
    return lax.axis_index("s") * _NC + lax.axis_index("c")


def _scan_slice(p_hbm, l_hbm, pbuf, lbuf, base, body16):

    def cbody(ci, _):
        off = base + ci * _CHUNK
        pltpu.sync_copy(p_hbm.at[pl.ds(off, _CHUNK)], pbuf)
        pltpu.sync_copy(l_hbm.at[pl.ds(off, _CHUNK)], lbuf)

        def vbody(i, _):
            for u in range(_UNROLL):
                j = i * (16 * _UNROLL) + u * 16
                v = pbuf[pl.ds(j, 16)]
                lv = lbuf[pl.ds(j, 16)]
                body16(lax.bitcast_convert_type(v, jnp.int32), lv)
            return 0

        lax.fori_loop(0, _CHUNK // (16 * _UNROLL), vbody, 0)
        return 0

    lax.fori_loop(0, _PER_W // _CHUNK, cbody, 0)


@functools.lru_cache(maxsize=None)
def _make_pass_kernel(second):
    n_in = 5 if second else 4
    scratch = [
        pltpu.VMEM((_CHUNK,), jnp.float32),
        pltpu.VMEM((_CHUNK,), jnp.float32),
        pltpu.VMEM((_NBINS,), jnp.int32),
        pltpu.VMEM((_NBINS,), jnp.float32),
    ] + ([pltpu.VMEM((128,), jnp.int32)] if second else [])

    @functools.partial(
        pl.kernel,
        out_type=[
            jax.ShapeDtypeStruct((_NW, _NBINS), jnp.int32),
            jax.ShapeDtypeStruct((_NW, _NBINS), jnp.float32),
        ],
        mesh=plsc.VectorSubcoreMesh(**_MESH),
        scratch_types=scratch,
        compiler_params=_SC_PARAMS,
    )
    def k(*refs):
        p_hbm, l_hbm, zi_hbm, zf_hbm = refs[:4]
        params_hbm = refs[4] if second else None
        hout, lsout = refs[n_in:n_in + 2]
        pbuf, lbuf, cnt, lsum = refs[n_in + 2:n_in + 6]
        prm = refs[n_in + 6] if second else None

        wid = _worker_id()
        pltpu.sync_copy(zi_hbm, cnt)
        pltpu.sync_copy(zf_hbm, lsum)

        ones = jnp.ones((16,), jnp.int32)
        if second:
            pltpu.sync_copy(params_hbm.at[0], prm)
            t1v = prm[pl.ds(0, 16)]

            def body16(bits, lv):
                msk = (bits >> 15) == t1v
                bin_ = bits & (_NBINS - 1)
                plsc.addupdate_scatter(cnt, [bin_], ones, mask=msk)
                plsc.addupdate_scatter(lsum, [bin_], lv, mask=msk)
        else:

            def body16(bits, lv):
                bin_ = bits >> 15
                plsc.addupdate_scatter(cnt, [bin_], ones)
                plsc.addupdate_scatter(lsum, [bin_], lv)

        _scan_slice(p_hbm, l_hbm, pbuf, lbuf, wid * _PER_W, body16)
        pltpu.sync_copy(cnt, hout.at[wid])
        pltpu.sync_copy(lsum, lsout.at[wid])

    return k


def _merge_cum(h_ref, ls_ref):
    tot = jnp.sum(h_ref[...].astype(jnp.float32), axis=0)
    lstot = jnp.sum(ls_ref[...], axis=0)
    i0 = lax.broadcasted_iota(jnp.int32, (128, 128), 0)
    i1 = lax.broadcasted_iota(jnp.int32, (128, 128), 1)
    tri_l = (i0 <= i1).astype(jnp.float32)
    r0 = lax.broadcasted_iota(jnp.int32, (256, 256), 0)
    r1 = lax.broadcasted_iota(jnp.int32, (256, 256), 1)
    tri_s = (r1 < r0).astype(jnp.float32)
    rowpref = jnp.dot(tot, tri_l, preferred_element_type=jnp.float32)
    rs = jnp.sum(tot, axis=1, keepdims=True)
    rs_excl = jnp.dot(tri_s, rs, preferred_element_type=jnp.float32)
    cum = rowpref + rs_excl
    g0 = lax.broadcasted_iota(jnp.int32, (256, 128), 0)
    g1 = lax.broadcasted_iota(jnp.int32, (256, 128), 1)
    gidx = (g0 * 128 + g1).astype(jnp.float32)
    return tot, lstot, cum, gidx


def _select_a_kernel():
    def body(h_ref, ls_ref, par_ref, part_ref):
        tot, lstot, cum, gidx = _merge_cum(h_ref, ls_ref)
        kf = jnp.float32(_K)
        below = cum <= kf
        b1 = jnp.sum(below.astype(jnp.float32))
        cb1 = jnp.sum(jnp.where(below, tot, 0.0))
        c1f = jnp.float32(_C1)
        t1 = jnp.maximum(b1, c1f)
        sel = (b1 >= c1f).astype(jnp.int32)
        six = (c1f >= b1).astype(jnp.int32)
        r2 = kf - cb1
        keep_a = gidx < t1
        cnt_a = jnp.sum(jnp.where(keep_a, tot, 0.0))
        sum_a = jnp.sum(jnp.where(keep_a, lstot, 0.0))
        rowi = lax.broadcasted_iota(jnp.int32, (8, 128), 0)
        t1i = t1.astype(jnp.int32)
        r2i = r2.astype(jnp.int32)
        par_ref[...] = jnp.where(
            rowi == 0, t1i,
            jnp.where(rowi == 1, r2i,
                      jnp.where(rowi == 2, sel, six)))
        part_ref[...] = jnp.where(
            rowi == 0, sum_a, jnp.where(rowi == 1, cnt_a, 0.0))

    return pl.pallas_call(
        body,
        out_shape=[
            jax.ShapeDtypeStruct((8, 128), jnp.int32),
            jax.ShapeDtypeStruct((8, 128), jnp.float32),
        ],
    )


def _finish_kernel():
    def body(h_ref, ls_ref, par_ref, part_ref, out_ref):
        tot, lstot, cum, gidx = _merge_cum(h_ref, ls_ref)
        r2 = par_ref[1, 0].astype(jnp.float32)
        sel = par_ref[2, 0]
        six = par_ref[3, 0]
        sum_a = part_ref[0, 0]
        cnt_a = part_ref[1, 0]
        below = cum <= r2
        b2 = jnp.sum(below.astype(jnp.float32))
        t2 = jnp.maximum(
            jnp.where(sel == 1, b2, jnp.float32(-1.0)),
            jnp.where(six == 1, jnp.float32(_C2), jnp.float32(-1.0)))
        keep_b = gidx < t2
        cnt = cnt_a + jnp.sum(jnp.where(keep_b, tot, 0.0))
        ssum = sum_a + jnp.sum(jnp.where(keep_b, lstot, 0.0))
        out_ref[0, 0] = ssum / jnp.maximum(cnt, 1.0)

    return pl.pallas_call(
        body,
        in_specs=[
            pl.BlockSpec(memory_space=pltpu.VMEM),
            pl.BlockSpec(memory_space=pltpu.VMEM),
            pl.BlockSpec(memory_space=pltpu.SMEM),
            pl.BlockSpec(memory_space=pltpu.SMEM),
        ],
        out_specs=pl.BlockSpec(memory_space=pltpu.SMEM),
        out_shape=jax.ShapeDtypeStruct((1, 1), jnp.float32),
    )


def kernel(score, target):
    score = score.astype(jnp.float32)
    target = target.astype(jnp.int32)
    p, l = _ce_stage(score, target)
    zi = jnp.zeros((_NBINS,), jnp.int32)
    zf = jnp.zeros((_NBINS,), jnp.float32)
    h_a, ls_a = _make_pass_kernel(False)(p, l, zi, zf)
    params, partials = _select_a_kernel()(
        h_a.reshape(_NW, 256, 128), ls_a.reshape(_NW, 256, 128))
    h_b, ls_b = _make_pass_kernel(True)(p, l, zi, zf, params)
    loss = _finish_kernel()(
        h_b.reshape(_NW, 256, 128), ls_b.reshape(_NW, 256, 128),
        params, partials)
    return loss[0, 0]

# --- scband reference (transcript-rebuilt; emitter-appended) ---
"""Pipeline reference for scband-ohem-cross-entropy-712964571361 (READ-ONLY COPY).

The authoritative reference and input builder live on the scoring server;
editing this copy changes nothing except your own understanding.
"""

import jax, jax.numpy as jnp
import numpy as np

IGNORE_INDEX = -1
THRESH = 0.6
MIN_KEPT = 350000


def setup_inputs(seed: int = 0) -> dict:
    key = jax.random.key(seed)
    k1, k2 = jax.random.split(key)
    score = jax.random.normal(k1, (8, 19, 512, 512), dtype=jnp.float32)
    target = jax.random.randint(k2, (8, 512, 512), 0, 19, dtype=jnp.int64)
    return {"score": score, "target": target}


def reference(score, target):
    # score: [B, C, H, W], target: [B, H, W]; spatial sizes match so no upsample branch.
    ignore_index = IGNORE_INDEX
    thresh = THRESH
    min_kept = max(1, MIN_KEPT)

    # per-pixel cross entropy with reduction='none' and ignore_index -> 0 loss
    log_p = jax.nn.log_softmax(score.astype(jnp.float32), axis=1)
    tmp_target = jnp.where(target == ignore_index, 0, target)
    pixel_losses = -jnp.take_along_axis(log_p, tmp_target[:, None, :, :], axis=1)[:, 0]  # [B,H,W]
    mask = (target != ignore_index)
    pixel_losses = jnp.where(mask, pixel_losses, 0.0)

    # softmax prob of the (clamped) target class per pixel
    pred = jax.nn.softmax(score.astype(jnp.float32), axis=1)
    pred = jnp.take_along_axis(pred, tmp_target[:, None, :, :], axis=1)[:, 0]  # [B,H,W]

    pred_f = pred.reshape(-1)
    losses_f = pixel_losses.reshape(-1)
    mask_f = mask.reshape(-1)

    # emulate pred[mask].sort() with static shapes: push ignored pixels to +inf
    sort_key = jnp.where(mask_f, pred_f, jnp.inf)
    order = jnp.argsort(sort_key)
    sorted_pred = jnp.take(sort_key, order)
    sorted_losses = jnp.take(losses_f, order)

    n_valid = jnp.sum(mask_f.astype(jnp.int32))
    idx = jnp.minimum(jnp.int32(min_kept), n_valid - 1)
    min_value = jnp.take(sorted_pred, idx)
    threshold = jnp.maximum(min_value, jnp.float32(thresh))

    keep = sorted_pred < threshold  # +inf entries (ignored pixels) never kept
    kept_count = jnp.sum(keep.astype(jnp.float32))
    loss = jnp.sum(sorted_losses * keep.astype(jnp.float32)) / jnp.maximum(kept_count, 1.0)
    return loss

if __name__ == "__main__":
    import jax
    _d = setup_inputs()
    print(jax.jit(kernel)(*tuple(_d.values())))

</pallas_src>

<mosaic_0001>
#map = affine_map<(d0, d1) -> (0)>
#map1 = affine_map<(d0, d1) -> (0, 0)>
module attributes {stable_mosaic.version = 14 : i64} {
  func.func @k(%arg0: i32, %arg1: i32, %arg2: memref<2097152xf32, #tpu.memory_space<hbm>>, %arg3: memref<2097152xf32, #tpu.memory_space<hbm>>, %arg4: memref<32768xi32, #tpu.memory_space<hbm>>, %arg5: memref<32768xf32, #tpu.memory_space<hbm>>, %arg6: memref<8x128xi32, #tpu.memory_space<hbm>>, %arg7: memref<32x32768xi32, #tpu.memory_space<hbm>>, %arg8: memref<32x32768xf32, #tpu.memory_space<hbm>>, %arg9: memref<4096xf32, #tpu.memory_space<vmem>>, %arg10: memref<4096xf32, #tpu.memory_space<vmem>>, %arg11: memref<32768xi32, #tpu.memory_space<vmem>>, %arg12: memref<32768xf32, #tpu.memory_space<vmem>>, %arg13: memref<128xi32, #tpu.memory_space<vmem>>) attributes {dimension_semantics = [#tpu.dimension_semantics<core_parallel>, #tpu.dimension_semantics<subcore_parallel>], iteration_bounds = array<i64: 2, 16>, scalar_prefetch = 0 : i64, scratch_operands = 5 : i64, tpu.core_type = #tpu.core_type<sc_vector_subcore>, window_params = [{transform_indices = #map}, {transform_indices = #map}, {transform_indices = #map}, {transform_indices = #map}, {transform_indices = #map1}, {transform_indices = #map1}, {transform_indices = #map1}]} {
    %mul3A = arith.constant 2 : i32
    %mul3A_0 = arith.muli %arg1, %mul3A : i32
    %add3A = arith.addi %mul3A_0, %arg0 : i32
    "tpu.region"() ({
      %run_scoped3A_11 = tpu.sem_alloc : memref<!tpu.dma_semaphore, #tpu.memory_space<semaphore_mem>>
      tpu.enqueue_dma source(%arg4 : memref<32768xi32, #tpu.memory_space<hbm>>) target(%arg11 : memref<32768xi32, #tpu.memory_space<vmem>>) target_semaphore(%run_scoped3A_11 : memref<!tpu.dma_semaphore, #tpu.memory_space<semaphore_mem>>)
      tpu.wait_dma2 semaphore(%run_scoped3A_11 : memref<!tpu.dma_semaphore, #tpu.memory_space<semaphore_mem>>) src(%arg4 : memref<32768xi32, #tpu.memory_space<hbm>>) dst(%arg11 : memref<32768xi32, #tpu.memory_space<vmem>>)
      tpu.yield
    }) : () -> ()
    "tpu.region"() ({
      %run_scoped3A_11 = tpu.sem_alloc : memref<!tpu.dma_semaphore, #tpu.memory_space<semaphore_mem>>
      tpu.enqueue_dma source(%arg5 : memref<32768xf32, #tpu.memory_space<hbm>>) target(%arg12 : memref<32768xf32, #tpu.memory_space<vmem>>) target_semaphore(%run_scoped3A_11 : memref<!tpu.dma_semaphore, #tpu.memory_space<semaphore_mem>>)
      tpu.wait_dma2 semaphore(%run_scoped3A_11 : memref<!tpu.dma_semaphore, #tpu.memory_space<semaphore_mem>>) src(%arg5 : memref<32768xf32, #tpu.memory_space<hbm>>) dst(%arg12 : memref<32768xf32, #tpu.memory_space<vmem>>)
      tpu.yield
    }) : () -> ()
    %broadcast_in_dim3A = arith.constant 1 : i32
    %broadcast_in_dim3A_1 = vector.broadcast %broadcast_in_dim3A : i32 to vector<16xi32>
    %run_scoped3A = arith.constant 0 : i32
    "tpu.region"() ({
      %run_scoped3A_11 = tpu.sem_alloc : memref<!tpu.dma_semaphore, #tpu.memory_space<semaphore_mem>>
      %dma_start3A = arith.constant 0 : i32
      %dma_start3A_12 = tpu.memref_slice %arg6[%run_scoped3A, %dma_start3A] : memref<8x128xi32, #tpu.memory_space<hbm>> -> memref<1x128xi32, #tpu.memory_space<hbm>>
      %dma_start3A_13 = tpu.memref_squeeze %dma_start3A_12 : memref<1x128xi32, #tpu.memory_space<hbm>> -> memref<128xi32, #tpu.memory_space<hbm>>
      %dma_start3A_14 = arith.constant 0 : i32
      %dma_start3A_15 = tpu.memref_slice %arg6[%run_scoped3A, %dma_start3A_14] : memref<8x128xi32, #tpu.memory_space<hbm>> -> memref<1x128xi32, #tpu.memory_space<hbm>>
      %dma_start3A_16 = tpu.memref_squeeze %dma_start3A_15 : memref<1x128xi32, #tpu.memory_space<hbm>> -> memref<128xi32, #tpu.memory_space<hbm>>
      tpu.enqueue_dma source(%dma_start3A_16 : memref<128xi32, #tpu.memory_space<hbm>>) target(%arg13 : memref<128xi32, #tpu.memory_space<vmem>>) target_semaphore(%run_scoped3A_11 : memref<!tpu.dma_semaphore, #tpu.memory_space<semaphore_mem>>)
      %dma_wait3A = arith.constant 0 : i32
      %dma_wait3A_17 = tpu.memref_slice %arg6[%run_scoped3A, %dma_wait3A] : memref<8x128xi32, #tpu.memory_space<hbm>> -> memref<1x128xi32, #tpu.memory_space<hbm>>
      %dma_wait3A_18 = tpu.memref_squeeze %dma_wait3A_17 : memref<1x128xi32, #tpu.memory_space<hbm>> -> memref<128xi32, #tpu.memory_space<hbm>>
      %dma_wait3A_19 = arith.constant 0 : i32
      %dma_wait3A_20 = tpu.memref_slice %arg6[%run_scoped3A, %dma_wait3A_19] : memref<8x128xi32, #tpu.memory_space<hbm>> -> memref<1x128xi32, #tpu.memory_space<hbm>>
      %dma_wait3A_21 = tpu.memref_squeeze %dma_wait3A_20 : memref<1x128xi32, #tpu.memory_space<hbm>> -> memref<128xi32, #tpu.memory_space<hbm>>
      tpu.wait_dma2 semaphore(%run_scoped3A_11 : memref<!tpu.dma_semaphore, #tpu.memory_space<semaphore_mem>>) src(%dma_wait3A_21 : memref<128xi32, #tpu.memory_space<hbm>>) dst(%arg13 : memref<128xi32, #tpu.memory_space<vmem>>)
      tpu.yield
    }) : () -> ()
    %get3A = arith.constant 0 : index
    %get3A_2 = tpu.vector_load %arg13[%get3A] {strides = array<i32>} : memref<128xi32, #tpu.memory_space<vmem>>, vector<16xi32>,
    %mul3A_3 = arith.constant 65536 : i32
    %mul3A_4 = arith.muli %add3A, %mul3A_3 : i32
    %scan3A = arith.constant 0 : i32
    %scan3A_5 = arith.constant 0 : i32
    %scan3A_6 = arith.constant 16 : i32
    %scan3A_7 = arith.addi %scan3A_5, %scan3A_6 : i32
    %scan3A_8 = arith.constant 1 : i32
    %scan3A_9 = scf.for %scan3A_11 = %scan3A_5 to %scan3A_7 step %scan3A_8 iter_args(%scan3A_12 = %scan3A) -> (i32)  : i32 {
      %mul3A_13 = arith.constant 4096 : i32
      %mul3A_14 = arith.muli %scan3A_11, %mul3A_13 : i32
      %add3A_15 = arith.addi %mul3A_4, %mul3A_14 : i32
      "tpu.region"() ({
        %run_scoped3A_24 = tpu.sem_alloc : memref<!tpu.dma_semaphore, #tpu.memory_space<semaphore_mem>>
        %dma_start3A = tpu.memref_slice %arg2[%add3A_15] : memref<2097152xf32, #tpu.memory_space<hbm>> -> memref<4096xf32, #tpu.memory_space<hbm>>
        %dma_start3A_25 = tpu.memref_slice %arg2[%add3A_15] : memref<2097152xf32, #tpu.memory_space<hbm>> -> memref<4096xf32, #tpu.memory_space<hbm>>
        tpu.enqueue_dma source(%dma_start3A_25 : memref<4096xf32, #tpu.memory_space<hbm>>) target(%arg9 : memref<4096xf32, #tpu.memory_space<vmem>>) target_semaphore(%run_scoped3A_24 : memref<!tpu.dma_semaphore, #tpu.memory_space<semaphore_mem>>)
        %dma_wait3A = tpu.memref_slice %arg2[%add3A_15] : memref<2097152xf32, #tpu.memory_space<hbm>> -> memref<4096xf32, #tpu.memory_space<hbm>>
        %dma_wait3A_26 = tpu.memref_slice %arg2[%add3A_15] : memref<2097152xf32, #tpu.memory_space<hbm>> -> memref<4096xf32, #tpu.memory_space<hbm>>
        tpu.wait_dma2 semaphore(%run_scoped3A_24 : memref<!tpu.dma_semaphore, #tpu.memory_space<semaphore_mem>>) src(%dma_wait3A_26 : memref<4096xf32, #tpu.memory_space<hbm>>) dst(%arg9 : memref<4096xf32, #tpu.memory_space<vmem>>)
        tpu.yield
      }) : () -> ()
      "tpu.region"() ({
        %run_scoped3A_24 = tpu.sem_alloc : memref<!tpu.dma_semaphore, #tpu.memory_space<semaphore_mem>>
        %dma_start3A = tpu.memref_slice %arg3[%add3A_15] : memref<2097152xf32, #tpu.memory_space<hbm>> -> memref<4096xf32, #tpu.memory_space<hbm>>
        %dma_start3A_25 = tpu.memref_slice %arg3[%add3A_15] : memref<2097152xf32, #tpu.memory_space<hbm>> -> memref<4096xf32, #tpu.memory_space<hbm>>
        tpu.enqueue_dma source(%dma_start3A_25 : memref<4096xf32, #tpu.memory_space<hbm>>) target(%arg10 : memref<4096xf32, #tpu.memory_space<vmem>>) target_semaphore(%run_scoped3A_24 : memref<!tpu.dma_semaphore, #tpu.memory_space<semaphore_mem>>)
        %dma_wait3A = tpu.memref_slice %arg3[%add3A_15] : memref<2097152xf32, #tpu.memory_space<hbm>> -> memref<4096xf32, #tpu.memory_space<hbm>>
        %dma_wait3A_26 = tpu.memref_slice %arg3[%add3A_15] : memref<2097152xf32, #tpu.memory_space<hbm>> -> memref<4096xf32, #tpu.memory_space<hbm>>
        tpu.wait_dma2 semaphore(%run_scoped3A_24 : memref<!tpu.dma_semaphore, #tpu.memory_space<semaphore_mem>>) src(%dma_wait3A_26 : memref<4096xf32, #tpu.memory_space<hbm>>) dst(%arg10 : memref<4096xf32, #tpu.memory_space<vmem>>)
        tpu.yield
      }) : () -> ()
      %scan3A_16 = arith.constant 0 : i32
      %scan3A_17 = arith.constant 0 : i32
      %scan3A_18 = arith.constant 64 : i32
      %scan3A_19 = arith.addi %scan3A_17, %scan3A_18 : i32
      %scan3A_20 = arith.constant 1 : i32
      %scan3A_21 = scf.for %scan3A_24 = %scan3A_17 to %scan3A_19 step %scan3A_20 iter_args(%scan3A_25 = %scan3A_16) -> (i32)  : i32 {
        %mul3A_26 = arith.constant 64 : i32
        %mul3A_27 = arith.muli %scan3A_24, %mul3A_26 : i32
        %add3A_28 = arith.constant 0 : i32
        %add3A_29 = arith.addi %mul3A_27, %add3A_28 : i32
        %get3A_30 = arith.index_cast %add3A_29 : i32 to index
        %get3A_31 = tpu.vector_load %arg9[%get3A_30] {strides = array<i32>} : memref<4096xf32, #tpu.memory_space<vmem>>, vector<16xf32>,
        %get3A_32 = arith.index_cast %add3A_29 : i32 to index
        %get3A_33 = tpu.vector_load %arg10[%get3A_32] {strides = array<i32>} : memref<4096xf32, #tpu.memory_space<vmem>>, vector<16xf32>,
        %bitcast_convert_type3A = tpu.bitcast %get3A_31 : vector<16xf32> -> vector<16xi32>
        %shift_right_arithmetic3A = arith.constant 15 : i32
        %shift_right_arithmetic3A_34 = vector.broadcast %shift_right_arithmetic3A : i32 to vector<16xi32>
        %shift_right_arithmetic3A_35 = arith.shrsi %bitcast_convert_type3A, %shift_right_arithmetic3A_34 : vector<16xi32>
        %eq3A = arith.cmpi eq, %shift_right_arithmetic3A_35, %get3A_2 : vector<16xi32>
        %and3A = arith.constant 32767 : i32
        %and3A_36 = vector.broadcast %and3A : i32 to vector<16xi32>
        %and3A_37 = arith.andi %bitcast_convert_type3A, %and3A_36 : vector<16xi32>
        tpu.vector_store_idx %arg11[%and3A_37], %broadcast_in_dim3A_1 masked %eq3A {add = true} : memref<32768xi32, #tpu.memory_space<vmem>>[vector<16xi32>], vector<16xi32>, vector<16xi1>
        tpu.vector_store_idx %arg12[%and3A_37], %get3A_33 masked %eq3A {add = true} : memref<32768xf32, #tpu.memory_space<vmem>>[vector<16xi32>], vector<16xf32>, vector<16xi1>
        %mul3A_38 = arith.constant 64 : i32
        %mul3A_39 = arith.muli %scan3A_24, %mul3A_38 : i32
        %add3A_40 = arith.constant 16 : i32
        %add3A_41 = arith.addi %mul3A_39, %add3A_40 : i32
        %get3A_42 = arith.index_cast %add3A_41 : i32 to index
        %get3A_43 = tpu.vector_load %arg9[%get3A_42] {strides = array<i32>} : memref<4096xf32, #tpu.memory_space<vmem>>, vector<16xf32>,
        %get3A_44 = arith.index_cast %add3A_41 : i32 to index
        %get3A_45 = tpu.vector_load %arg10[%get3A_44] {strides = array<i32>} : memref<4096xf32, #tpu.memory_space<vmem>>, vector<16xf32>,
        %bitcast_convert_type3A_46 = tpu.bitcast %get3A_43 : vector<16xf32> -> vector<16xi32>
        %shift_right_arithmetic3A_47 = arith.constant 15 : i32
        %shift_right_arithmetic3A_48 = vector.broadcast %shift_right_arithmetic3A_47 : i32 to vector<16xi32>
        %shift_right_arithmetic3A_49 = arith.shrsi %bitcast_convert_type3A_46, %shift_right_arithmetic3A_48 : vector<16xi32>
        %eq3A_50 = arith.cmpi eq, %shift_right_arithmetic3A_49, %get3A_2 : vector<16xi32>
        %and3A_51 = arith.constant 32767 : i32
        %and3A_52 = vector.broadcast %and3A_51 : i32 to vector<16xi32>
        %and3A_53 = arith.andi %bitcast_convert_type3A_46, %and3A_52 : vector<16xi32>
        tpu.vector_store_idx %arg11[%and3A_53], %broadcast_in_dim3A_1 masked %eq3A_50 {add = true} : memref<32768xi32, #tpu.memory_space<vmem>>[vector<16xi32>], vector<16xi32>, vector<16xi1>
        tpu.vector_store_idx %arg12[%and3A_53], %get3A_45 masked %eq3A_50 {add = true} : memref<32768xf32, #tpu.memory_space<vmem>>[vector<16xi32>], vector<16xf32>, vector<16xi1>
        %mul3A_54 = arith.constant 64 : i32
        %mul3A_55 = arith.muli %scan3A_24, %mul3A_54 : i32
        %add3A_56 = arith.constant 32 : i32
        %add3A_57 = arith.addi %mul3A_55, %add3A_56 : i32
        %get3A_58 = arith.index_cast %add3A_57 : i32 to index
        %get3A_59 = tpu.vector_load %arg9[%get3A_58] {strides = array<i32>} : memref<4096xf32, #tpu.memory_space<vmem>>, vector<16xf32>,
        %get3A_60 = arith.index_cast %add3A_57 : i32 to index
        %get3A_61 = tpu.vector_load %arg10[%get3A_60] {strides = array<i32>} : memref<4096xf32, #tpu.memory_space<vmem>>, vector<16xf32>,
        %bitcast_convert_type3A_62 = tpu.bitcast %get3A_59 : vector<16xf32> -> vector<16xi32>
        %shift_right_arithmetic3A_63 = arith.constant 15 : i32
        %shift_right_arithmetic3A_64 = vector.broadcast %shift_right_arithmetic3A_63 : i32 to vector<16xi32>
        %shift_right_arithmetic3A_65 = arith.shrsi %bitcast_convert_type3A_62, %shift_right_arithmetic3A_64 : vector<16xi32>
        %eq3A_66 = arith.cmpi eq, %shift_right_arithmetic3A_65, %get3A_2 : vector<16xi32>
        %and3A_67 = arith.constant 32767 : i32
        %and3A_68 = vector.broadcast %and3A_67 : i32 to vector<16xi32>
        %and3A_69 = arith.andi %bitcast_convert_type3A_62, %and3A_68 : vector<16xi32>
        tpu.vector_store_idx %arg11[%and3A_69], %broadcast_in_dim3A_1 masked %eq3A_66 {add = true} : memref<32768xi32, #tpu.memory_space<vmem>>[vector<16xi32>], vector<16xi32>, vector<16xi1>
        tpu.vector_store_idx %arg12[%and3A_69], %get3A_61 masked %eq3A_66 {add = true} : memref<32768xf32, #tpu.memory_space<vmem>>[vector<16xi32>], vector<16xf32>, vector<16xi1>
        %mul3A_70 = arith.constant 64 : i32
        %mul3A_71 = arith.muli %scan3A_24, %mul3A_70 : i32
        %add3A_72 = arith.constant 48 : i32
        %add3A_73 = arith.addi %mul3A_71, %add3A_72 : i32
        %get3A_74 = arith.index_cast %add3A_73 : i32 to index
        %get3A_75 = tpu.vector_load %arg9[%get3A_74] {strides = array<i32>} : memref<4096xf32, #tpu.memory_space<vmem>>, vector<16xf32>,
        %get3A_76 = arith.index_cast %add3A_73 : i32 to index
        %get3A_77 = tpu.vector_load %arg10[%get3A_76] {strides = array<i32>} : memref<4096xf32, #tpu.memory_space<vmem>>, vector<16xf32>,
        %bitcast_convert_type3A_78 = tpu.bitcast %get3A_75 : vector<16xf32> -> vector<16xi32>
        %shift_right_arithmetic3A_79 = arith.constant 15 : i32
        %shift_right_arithmetic3A_80 = vector.broadcast %shift_right_arithmetic3A_79 : i32 to vector<16xi32>
        %shift_right_arithmetic3A_81 = arith.shrsi %bitcast_convert_type3A_78, %shift_right_arithmetic3A_80 : vector<16xi32>
        %eq3A_82 = arith.cmpi eq, %shift_right_arithmetic3A_81, %get3A_2 : vector<16xi32>
        %and3A_83 = arith.constant 32767 : i32
        %and3A_84 = vector.broadcast %and3A_83 : i32 to vector<16xi32>
        %and3A_85 = arith.andi %bitcast_convert_type3A_78, %and3A_84 : vector<16xi32>
        tpu.vector_store_idx %arg11[%and3A_85], %broadcast_in_dim3A_1 masked %eq3A_82 {add = true} : memref<32768xi32, #tpu.memory_space<vmem>>[vector<16xi32>], vector<16xi32>, vector<16xi1>
        tpu.vector_store_idx %arg12[%and3A_85], %get3A_77 masked %eq3A_82 {add = true} : memref<32768xf32, #tpu.memory_space<vmem>>[vector<16xi32>], vector<16xf32>, vector<16xi1>
        %scan3A_86 = arith.constant 0 : i32
        scf.yield %scan3A_86 : i32
      }
      %scan3A_22 = arith.constant 64 : i32
      %scan3A_23 = arith.constant 0 : i32
      scf.yield %scan3A_23 : i32
    }
    %scan3A_10 = arith.constant 16 : i32
    "tpu.region"() ({
      %run_scoped3A_11 = tpu.sem_alloc : memref<!tpu.dma_semaphore, #tpu.memory_space<semaphore_mem>>
      %dma_start3A = arith.constant 0 : i32
      %dma_start3A_12 = tpu.memref_slice %arg7[%add3A, %dma_start3A] : memref<32x32768xi32, #tpu.memory_space<hbm>> -> memref<1x32768xi32, #tpu.memory_space<hbm>>
      %dma_start3A_13 = tpu.memref_squeeze %dma_start3A_12 : memref<1x32768xi32, #tpu.memory_space<hbm>> -> memref<32768xi32, #tpu.memory_space<hbm>>
      %dma_start3A_14 = arith.constant 0 : i32
      %dma_start3A_15 = tpu.memref_slice %arg7[%add3A, %dma_start3A_14] : memref<32x32768xi32, #tpu.memory_space<hbm>> -> memref<1x32768xi32, #tpu.memory_space<hbm>>
      %dma_start3A_16 = tpu.memref_squeeze %dma_start3A_15 : memref<1x32768xi32, #tpu.memory_space<hbm>> -> memref<32768xi32, #tpu.memory_space<hbm>>
      tpu.enqueue_dma source(%arg11 : memref<32768xi32, #tpu.memory_space<vmem>>) target(%dma_start3A_16 : memref<32768xi32, #tpu.memory_space<hbm>>) target_semaphore(%run_scoped3A_11 : memref<!tpu.dma_semaphore, #tpu.memory_space<semaphore_mem>>)
      %dma_wait3A = arith.constant 0 : i32
      %dma_wait3A_17 = tpu.memref_slice %arg7[%add3A, %dma_wait3A] : memref<32x32768xi32, #tpu.memory_space<hbm>> -> memref<1x32768xi32, #tpu.memory_space<hbm>>
      %dma_wait3A_18 = tpu.memref_squeeze %dma_wait3A_17 : memref<1x32768xi32, #tpu.memory_space<hbm>> -> memref<32768xi32, #tpu.memory_space<hbm>>
      %dma_wait3A_19 = arith.constant 0 : i32
      %dma_wait3A_20 = tpu.memref_slice %arg7[%add3A, %dma_wait3A_19] : memref<32x32768xi32, #tpu.memory_space<hbm>> -> memref<1x32768xi32, #tpu.memory_space<hbm>>
      %dma_wait3A_21 = tpu.memref_squeeze %dma_wait3A_20 : memref<1x32768xi32, #tpu.memory_space<hbm>> -> memref<32768xi32, #tpu.memory_space<hbm>>
      tpu.wait_dma2 semaphore(%run_scoped3A_11 : memref<!tpu.dma_semaphore, #tpu.memory_space<semaphore_mem>>) src(%arg11 : memref<32768xi32, #tpu.memory_space<vmem>>) dst(%dma_wait3A_21 : memref<32768xi32, #tpu.memory_space<hbm>>)
      tpu.yield
    }) : () -> ()
    "tpu.region"() ({
      %run_scoped3A_11 = tpu.sem_alloc : memref<!tpu.dma_semaphore, #tpu.memory_space<semaphore_mem>>
      %dma_start3A = arith.constant 0 : i32
      %dma_start3A_12 = tpu.memref_slice %arg8[%add3A, %dma_start3A] : memref<32x32768xf32, #tpu.memory_space<hbm>> -> memref<1x32768xf32, #tpu.memory_space<hbm>>
      %dma_start3A_13 = tpu.memref_squeeze %dma_start3A_12 : memref<1x32768xf32, #tpu.memory_space<hbm>> -> memref<32768xf32, #tpu.memory_space<hbm>>
      %dma_start3A_14 = arith.constant 0 : i32
      %dma_start3A_15 = tpu.memref_slice %arg8[%add3A, %dma_start3A_14] : memref<32x32768xf32, #tpu.memory_space<hbm>> -> memref<1x32768xf32, #tpu.memory_space<hbm>>
      %dma_start3A_16 = tpu.memref_squeeze %dma_start3A_15 : memref<1x32768xf32, #tpu.memory_space<hbm>> -> memref<32768xf32, #tpu.memory_space<hbm>>
      tpu.enqueue_dma source(%arg12 : memref<32768xf32, #tpu.memory_space<vmem>>) target(%dma_start3A_16 : memref<32768xf32, #tpu.memory_space<hbm>>) target_semaphore(%run_scoped3A_11 : memref<!tpu.dma_semaphore, #tpu.memory_space<semaphore_mem>>)
      %dma_wait3A = arith.constant 0 : i32
      %dma_wait3A_17 = tpu.memref_slice %arg8[%add3A, %dma_wait3A] : memref<32x32768xf32, #tpu.memory_space<hbm>> -> memref<1x32768xf32, #tpu.memory_space<hbm>>
      %dma_wait3A_18 = tpu.memref_squeeze %dma_wait3A_17 : memref<1x32768xf32, #tpu.memory_space<hbm>> -> memref<32768xf32, #tpu.memory_space<hbm>>
      %dma_wait3A_19 = arith.constant 0 : i32
      %dma_wait3A_20 = tpu.memref_slice %arg8[%add3A, %dma_wait3A_19] : memref<32x32768xf32, #tpu.memory_space<hbm>> -> memref<1x32768xf32, #tpu.memory_space<hbm>>
      %dma_wait3A_21 = tpu.memref_squeeze %dma_wait3A_20 : memref<1x32768xf32, #tpu.memory_space<hbm>> -> memref<32768xf32, #tpu.memory_space<hbm>>
      tpu.wait_dma2 semaphore(%run_scoped3A_11 : memref<!tpu.dma_semaphore, #tpu.memory_space<semaphore_mem>>) src(%arg12 : memref<32768xf32, #tpu.memory_space<vmem>>) dst(%dma_wait3A_21 : memref<32768xf32, #tpu.memory_space<hbm>>)
      tpu.yield
    }) : () -> ()
    return
  }
}

#map = affine_map<(d0, d1) -> (0)>
#map1 = affine_map<(d0, d1) -> (0, 0)>
module attributes {stable_mosaic.version = 14 : i64} {
  func.func @k(%arg0: i32, %arg1: i32, %arg2: memref<2097152xf32, #tpu.memory_space<hbm>>, %arg3: memref<2097152xf32, #tpu.memory_space<hbm>>, %arg4: memref<32768xi32, #tpu.memory_space<hbm>>, %arg5: memref<32768xf32, #tpu.memory_space<hbm>>, %arg6: memref<32x32768xi32, #tpu.memory_space<hbm>>, %arg7: memref<32x32768xf32, #tpu.memory_space<hbm>>, %arg8: memref<4096xf32, #tpu.memory_space<vmem>>, %arg9: memref<4096xf32, #tpu.memory_space<vmem>>, %arg10: memref<32768xi32, #tpu.memory_space<vmem>>, %arg11: memref<32768xf32, #tpu.memory_space<vmem>>) attributes {dimension_semantics = [#tpu.dimension_semantics<core_parallel>, #tpu.dimension_semantics<subcore_parallel>], iteration_bounds = array<i64: 2, 16>, scalar_prefetch = 0 : i64, scratch_operands = 4 : i64, tpu.core_type = #tpu.core_type<sc_vector_subcore>, window_params = [{transform_indices = #map}, {transform_indices = #map}, {transform_indices = #map}, {transform_indices = #map}, {transform_indices = #map1}, {transform_indices = #map1}]} {
    %mul3A = arith.constant 2 : i32
    %mul3A_0 = arith.muli %arg1, %mul3A : i32
    %add3A = arith.addi %mul3A_0, %arg0 : i32
    "tpu.region"() ({
      %run_scoped3A = tpu.sem_alloc : memref<!tpu.dma_semaphore, #tpu.memory_space<semaphore_mem>>
      tpu.enqueue_dma source(%arg4 : memref<32768xi32, #tpu.memory_space<hbm>>) target(%arg10 : memref<32768xi32, #tpu.memory_space<vmem>>) target_semaphore(%run_scoped3A : memref<!tpu.dma_semaphore, #tpu.memory_space<semaphore_mem>>)
      tpu.wait_dma2 semaphore(%run_scoped3A : memref<!tpu.dma_semaphore, #tpu.memory_space<semaphore_mem>>) src(%arg4 : memref<32768xi32, #tpu.memory_space<hbm>>) dst(%arg10 : memref<32768xi32, #tpu.memory_space<vmem>>)
      tpu.yield
    }) : () -> ()
    "tpu.region"() ({
      %run_scoped3A = tpu.sem_alloc : memref<!tpu.dma_semaphore, #tpu.memory_space<semaphore_mem>>
      tpu.enqueue_dma source(%arg5 : memref<32768xf32, #tpu.memory_space<hbm>>) target(%arg11 : memref<32768xf32, #tpu.memory_space<vmem>>) target_semaphore(%run_scoped3A : memref<!tpu.dma_semaphore, #tpu.memory_space<semaphore_mem>>)
      tpu.wait_dma2 semaphore(%run_scoped3A : memref<!tpu.dma_semaphore, #tpu.memory_space<semaphore_mem>>) src(%arg5 : memref<32768xf32, #tpu.memory_space<hbm>>) dst(%arg11 : memref<32768xf32, #tpu.memory_space<vmem>>)
      tpu.yield
    }) : () -> ()
    %broadcast_in_dim3A = arith.constant 1 : i32
    %broadcast_in_dim3A_1 = vector.broadcast %broadcast_in_dim3A : i32 to vector<16xi32>
    %mul3A_2 = arith.constant 65536 : i32
    %mul3A_3 = arith.muli %add3A, %mul3A_2 : i32
    %scan3A = arith.constant 0 : i32
    %scan3A_4 = arith.constant 0 : i32
    %scan3A_5 = arith.constant 16 : i32
    %scan3A_6 = arith.addi %scan3A_4, %scan3A_5 : i32
    %scan3A_7 = arith.constant 1 : i32
    %scan3A_8 = scf.for %scan3A_10 = %scan3A_4 to %scan3A_6 step %scan3A_7 iter_args(%scan3A_11 = %scan3A) -> (i32)  : i32 {
      %mul3A_12 = arith.constant 4096 : i32
      %mul3A_13 = arith.muli %scan3A_10, %mul3A_12 : i32
      %add3A_14 = arith.addi %mul3A_3, %mul3A_13 : i32
      "tpu.region"() ({
        %run_scoped3A = tpu.sem_alloc : memref<!tpu.dma_semaphore, #tpu.memory_space<semaphore_mem>>
        %dma_start3A = tpu.memref_slice %arg2[%add3A_14] : memref<2097152xf32, #tpu.memory_space<hbm>> -> memref<4096xf32, #tpu.memory_space<hbm>>
        %dma_start3A_23 = tpu.memref_slice %arg2[%add3A_14] : memref<2097152xf32, #tpu.memory_space<hbm>> -> memref<4096xf32, #tpu.memory_space<hbm>>
        tpu.enqueue_dma source(%dma_start3A_23 : memref<4096xf32, #tpu.memory_space<hbm>>) target(%arg8 : memref<4096xf32, #tpu.memory_space<vmem>>) target_semaphore(%run_scoped3A : memref<!tpu.dma_semaphore, #tpu.memory_space<semaphore_mem>>)
        %dma_wait3A = tpu.memref_slice %arg2[%add3A_14] : memref<2097152xf32, #tpu.memory_space<hbm>> -> memref<4096xf32, #tpu.memory_space<hbm>>
        %dma_wait3A_24 = tpu.memref_slice %arg2[%add3A_14] : memref<2097152xf32, #tpu.memory_space<hbm>> -> memref<4096xf32, #tpu.memory_space<hbm>>
        tpu.wait_dma2 semaphore(%run_scoped3A : memref<!tpu.dma_semaphore, #tpu.memory_space<semaphore_mem>>) src(%dma_wait3A_24 : memref<4096xf32, #tpu.memory_space<hbm>>) dst(%arg8 : memref<4096xf32, #tpu.memory_space<vmem>>)
        tpu.yield
      }) : () -> ()
      "tpu.region"() ({
        %run_scoped3A = tpu.sem_alloc : memref<!tpu.dma_semaphore, #tpu.memory_space<semaphore_mem>>
        %dma_start3A = tpu.memref_slice %arg3[%add3A_14] : memref<2097152xf32, #tpu.memory_space<hbm>> -> memref<4096xf32, #tpu.memory_space<hbm>>
        %dma_start3A_23 = tpu.memref_slice %arg3[%add3A_14] : memref<2097152xf32, #tpu.memory_space<hbm>> -> memref<4096xf32, #tpu.memory_space<hbm>>
        tpu.enqueue_dma source(%dma_start3A_23 : memref<4096xf32, #tpu.memory_space<hbm>>) target(%arg9 : memref<4096xf32, #tpu.memory_space<vmem>>) target_semaphore(%run_scoped3A : memref<!tpu.dma_semaphore, #tpu.memory_space<semaphore_mem>>)
        %dma_wait3A = tpu.memref_slice %arg3[%add3A_14] : memref<2097152xf32, #tpu.memory_space<hbm>> -> memref<4096xf32, #tpu.memory_space<hbm>>
        %dma_wait3A_24 = tpu.memref_slice %arg3[%add3A_14] : memref<2097152xf32, #tpu.memory_space<hbm>> -> memref<4096xf32, #tpu.memory_space<hbm>>
        tpu.wait_dma2 semaphore(%run_scoped3A : memref<!tpu.dma_semaphore, #tpu.memory_space<semaphore_mem>>) src(%dma_wait3A_24 : memref<4096xf32, #tpu.memory_space<hbm>>) dst(%arg9 : memref<4096xf32, #tpu.memory_space<vmem>>)
        tpu.yield
      }) : () -> ()
      %scan3A_15 = arith.constant 0 : i32
      %scan3A_16 = arith.constant 0 : i32
      %scan3A_17 = arith.constant 64 : i32
      %scan3A_18 = arith.addi %scan3A_16, %scan3A_17 : i32
      %scan3A_19 = arith.constant 1 : i32
      %scan3A_20 = scf.for %scan3A_23 = %scan3A_16 to %scan3A_18 step %scan3A_19 iter_args(%scan3A_24 = %scan3A_15) -> (i32)  : i32 {
        %mul3A_25 = arith.constant 64 : i32
        %mul3A_26 = arith.muli %scan3A_23, %mul3A_25 : i32
        %add3A_27 = arith.constant 0 : i32
        %add3A_28 = arith.addi %mul3A_26, %add3A_27 : i32
        %get3A = arith.index_cast %add3A_28 : i32 to index
        %get3A_29 = tpu.vector_load %arg8[%get3A] {strides = array<i32>} : memref<4096xf32, #tpu.memory_space<vmem>>, vector<16xf32>,
        %get3A_30 = arith.index_cast %add3A_28 : i32 to index
        %get3A_31 = tpu.vector_load %arg9[%get3A_30] {strides = array<i32>} : memref<4096xf32, #tpu.memory_space<vmem>>, vector<16xf32>,
        %bitcast_convert_type3A = tpu.bitcast %get3A_29 : vector<16xf32> -> vector<16xi32>
        %shift_right_arithmetic3A = arith.constant 15 : i32
        %shift_right_arithmetic3A_32 = vector.broadcast %shift_right_arithmetic3A : i32 to vector<16xi32>
        %shift_right_arithmetic3A_33 = arith.shrsi %bitcast_convert_type3A, %shift_right_arithmetic3A_32 : vector<16xi32>
        tpu.vector_store_idx %arg10[%shift_right_arithmetic3A_33], %broadcast_in_dim3A_1 {add = true} : memref<32768xi32, #tpu.memory_space<vmem>>[vector<16xi32>], vector<16xi32>,
        tpu.vector_store_idx %arg11[%shift_right_arithmetic3A_33], %get3A_31 {add = true} : memref<32768xf32, #tpu.memory_space<vmem>>[vector<16xi32>], vector<16xf32>,
        %mul3A_34 = arith.constant 64 : i32
        %mul3A_35 = arith.muli %scan3A_23, %mul3A_34 : i32
        %add3A_36 = arith.constant 16 : i32
        %add3A_37 = arith.addi %mul3A_35, %add3A_36 : i32
        %get3A_38 = arith.index_cast %add3A_37 : i32 to index
        %get3A_39 = tpu.vector_load %arg8[%get3A_38] {strides = array<i32>} : memref<4096xf32, #tpu.memory_space<vmem>>, vector<16xf32>,
        %get3A_40 = arith.index_cast %add3A_37 : i32 to index
        %get3A_41 = tpu.vector_load %arg9[%get3A_40] {strides = array<i32>} : memref<4096xf32, #tpu.memory_space<vmem>>, vector<16xf32>,
        %bitcast_convert_type3A_42 = tpu.bitcast %get3A_39 : vector<16xf32> -> vector<16xi32>
        %shift_right_arithmetic3A_43 = arith.constant 15 : i32
        %shift_right_arithmetic3A_44 = vector.broadcast %shift_right_arithmetic3A_43 : i32 to vector<16xi32>
        %shift_right_arithmetic3A_45 = arith.shrsi %bitcast_convert_type3A_42, %shift_right_arithmetic3A_44 : vector<16xi32>
        tpu.vector_store_idx %arg10[%shift_right_arithmetic3A_45], %broadcast_in_dim3A_1 {add = true} : memref<32768xi32, #tpu.memory_space<vmem>>[vector<16xi32>], vector<16xi32>,
        tpu.vector_store_idx %arg11[%shift_right_arithmetic3A_45], %get3A_41 {add = true} : memref<32768xf32, #tpu.memory_space<vmem>>[vector<16xi32>], vector<16xf32>,
        %mul3A_46 = arith.constant 64 : i32
        %mul3A_47 = arith.muli %scan3A_23, %mul3A_46 : i32
        %add3A_48 = arith.constant 32 : i32
        %add3A_49 = arith.addi %mul3A_47, %add3A_48 : i32
        %get3A_50 = arith.index_cast %add3A_49 : i32 to index
        %get3A_51 = tpu.vector_load %arg8[%get3A_50] {strides = array<i32>} : memref<4096xf32, #tpu.memory_space<vmem>>, vector<16xf32>,
        %get3A_52 = arith.index_cast %add3A_49 : i32 to index
        %get3A_53 = tpu.vector_load %arg9[%get3A_52] {strides = array<i32>} : memref<4096xf32, #tpu.memory_space<vmem>>, vector<16xf32>,
        %bitcast_convert_type3A_54 = tpu.bitcast %get3A_51 : vector<16xf32> -> vector<16xi32>
        %shift_right_arithmetic3A_55 = arith.constant 15 : i32
        %shift_right_arithmetic3A_56 = vector.broadcast %shift_right_arithmetic3A_55 : i32 to vector<16xi32>
        %shift_right_arithmetic3A_57 = arith.shrsi %bitcast_convert_type3A_54, %shift_right_arithmetic3A_56 : vector<16xi32>
        tpu.vector_store_idx %arg10[%shift_right_arithmetic3A_57], %broadcast_in_dim3A_1 {add = true} : memref<32768xi32, #tpu.memory_space<vmem>>[vector<16xi32>], vector<16xi32>,
        tpu.vector_store_idx %arg11[%shift_right_arithmetic3A_57], %get3A_53 {add = true} : memref<32768xf32, #tpu.memory_space<vmem>>[vector<16xi32>], vector<16xf32>,
        %mul3A_58 = arith.constant 64 : i32
        %mul3A_59 = arith.muli %scan3A_23, %mul3A_58 : i32
        %add3A_60 = arith.constant 48 : i32
        %add3A_61 = arith.addi %mul3A_59, %add3A_60 : i32
        %get3A_62 = arith.index_cast %add3A_61 : i32 to index
        %get3A_63 = tpu.vector_load %arg8[%get3A_62] {strides = array<i32>} : memref<4096xf32, #tpu.memory_space<vmem>>, vector<16xf32>,
        %get3A_64 = arith.index_cast %add3A_61 : i32 to index
        %get3A_65 = tpu.vector_load %arg9[%get3A_64] {strides = array<i32>} : memref<4096xf32, #tpu.memory_space<vmem>>, vector<16xf32>,
        %bitcast_convert_type3A_66 = tpu.bitcast %get3A_63 : vector<16xf32> -> vector<16xi32>
        %shift_right_arithmetic3A_67 = arith.constant 15 : i32
        %shift_right_arithmetic3A_68 = vector.broadcast %shift_right_arithmetic3A_67 : i32 to vector<16xi32>
        %shift_right_arithmetic3A_69 = arith.shrsi %bitcast_convert_type3A_66, %shift_right_arithmetic3A_68 : vector<16xi32>
        tpu.vector_store_idx %arg10[%shift_right_arithmetic3A_69], %broadcast_in_dim3A_1 {add = true} : memref<32768xi32, #tpu.memory_space<vmem>>[vector<16xi32>], vector<16xi32>,
        tpu.vector_store_idx %arg11[%shift_right_arithmetic3A_69], %get3A_65 {add = true} : memref<32768xf32, #tpu.memory_space<vmem>>[vector<16xi32>], vector<16xf32>,
        %scan3A_70 = arith.constant 0 : i32
        scf.yield %scan3A_70 : i32
      }
      %scan3A_21 = arith.constant 64 : i32
      %scan3A_22 = arith.constant 0 : i32
      scf.yield %scan3A_22 : i32
    }
    %scan3A_9 = arith.constant 16 : i32
    "tpu.region"() ({
      %run_scoped3A = tpu.sem_alloc : memref<!tpu.dma_semaphore, #tpu.memory_space<semaphore_mem>>
      %dma_start3A = arith.constant 0 : i32
      %dma_start3A_10 = tpu.memref_slice %arg6[%add3A, %dma_start3A] : memref<32x32768xi32, #tpu.memory_space<hbm>> -> memref<1x32768xi32, #tpu.memory_space<hbm>>
      %dma_start3A_11 = tpu.memref_squeeze %dma_start3A_10 : memref<1x32768xi32, #tpu.memory_space<hbm>> -> memref<32768xi32, #tpu.memory_space<hbm>>
      %dma_start3A_12 = arith.constant 0 : i32
      %dma_start3A_13 = tpu.memref_slice %arg6[%add3A, %dma_start3A_12] : memref<32x32768xi32, #tpu.memory_space<hbm>> -> memref<1x32768xi32, #tpu.memory_space<hbm>>
      %dma_start3A_14 = tpu.memref_squeeze %dma_start3A_13 : memref<1x32768xi32, #tpu.memory_space<hbm>> -> memref<32768xi32, #tpu.memory_space<hbm>>
      tpu.enqueue_dma source(%arg10 : memref<32768xi32, #tpu.memory_space<vmem>>) target(%dma_start3A_14 : memref<32768xi32, #tpu.memory_space<hbm>>) target_semaphore(%run_scoped3A : memref<!tpu.dma_semaphore, #tpu.memory_space<semaphore_mem>>)
      %dma_wait3A = arith.constant 0 : i32
      %dma_wait3A_15 = tpu.memref_slice %arg6[%add3A, %dma_wait3A] : memref<32x32768xi32, #tpu.memory_space<hbm>> -> memref<1x32768xi32, #tpu.memory_space<hbm>>
      %dma_wait3A_16 = tpu.memref_squeeze %dma_wait3A_15 : memref<1x32768xi32, #tpu.memory_space<hbm>> -> memref<32768xi32, #tpu.memory_space<hbm>>
      %dma_wait3A_17 = arith.constant 0 : i32
      %dma_wait3A_18 = tpu.memref_slice %arg6[%add3A, %dma_wait3A_17] : memref<32x32768xi32, #tpu.memory_space<hbm>> -> memref<1x32768xi32, #tpu.memory_space<hbm>>
      %dma_wait3A_19 = tpu.memref_squeeze %dma_wait3A_18 : memref<1x32768xi32, #tpu.memory_space<hbm>> -> memref<32768xi32, #tpu.memory_space<hbm>>
      tpu.wait_dma2 semaphore(%run_scoped3A : memref<!tpu.dma_semaphore, #tpu.memory_space<semaphore_mem>>) src(%arg10 : memref<32768xi32, #tpu.memory_space<vmem>>) dst(%dma_wait3A_19 : memref<32768xi32, #tpu.memory_space<hbm>>)
      tpu.yield
    }) : () -> ()
    "tpu.region"() ({
      %run_scoped3A = tpu.sem_alloc : memref<!tpu.dma_semaphore, #tpu.memory_space<semaphore_mem>>
      %dma_start3A = arith.constant 0 : i32
      %dma_start3A_10 = tpu.memref_slice %arg7[%add3A, %dma_start3A] : memref<32x32768xf32, #tpu.memory_space<hbm>> -> memref<1x32768xf32, #tpu.memory_space<hbm>>
      %dma_start3A_11 = tpu.memref_squeeze %dma_start3A_10 : memref<1x32768xf32, #tpu.memory_space<hbm>> -> memref<32768xf32, #tpu.memory_space<hbm>>
      %dma_start3A_12 = arith.constant 0 : i32
      %dma_start3A_13 = tpu.memref_slice %arg7[%add3A, %dma_start3A_12] : memref<32x32768xf32, #tpu.memory_space<hbm>> -> memref<1x32768xf32, #tpu.memory_space<hbm>>
      %dma_start3A_14 = tpu.memref_squeeze %dma_start3A_13 : memref<1x32768xf32, #tpu.memory_space<hbm>> -> memref<32768xf32, #tpu.memory_space<hbm>>
      tpu.enqueue_dma source(%arg11 : memref<32768xf32, #tpu.memory_space<vmem>>) target(%dma_start3A_14 : memref<32768xf32, #tpu.memory_space<hbm>>) target_semaphore(%run_scoped3A : memref<!tpu.dma_semaphore, #tpu.memory_space<semaphore_mem>>)
      %dma_wait3A = arith.constant 0 : i32
      %dma_wait3A_15 = tpu.memref_slice %arg7[%add3A, %dma_wait3A] : memref<32x32768xf32, #tpu.memory_space<hbm>> -> memref<1x32768xf32, #tpu.memory_space<hbm>>
      %dma_wait3A_16 = tpu.memref_squeeze %dma_wait3A_15 : memref<1x32768xf32, #tpu.memory_space<hbm>> -> memref<32768xf32, #tpu.memory_space<hbm>>
      %dma_wait3A_17 = arith.constant 0 : i32
      %dma_wait3A_18 = tpu.memref_slice %arg7[%add3A, %dma_wait3A_17] : memref<32x32768xf32, #tpu.memory_space<hbm>> -> memref<1x32768xf32, #tpu.memory_space<hbm>>
      %dma_wait3A_19 = tpu.memref_squeeze %dma_wait3A_18 : memref<1x32768xf32, #tpu.memory_space<hbm>> -> memref<32768xf32, #tpu.memory_space<hbm>>
      tpu.wait_dma2 semaphore(%run_scoped3A : memref<!tpu.dma_semaphore, #tpu.memory_space<semaphore_mem>>) src(%arg11 : memref<32768xf32, #tpu.memory_space<vmem>>) dst(%dma_wait3A_19 : memref<32768xf32, #tpu.memory_space<hbm>>)
      tpu.yield
    }) : () -> ()
    return
  }
}

module attributes {stable_mosaic.version = 14 : i64} {
  func.func @body(%arg0: i32, %arg1: i32, %arg2: memref<1x19x128x512xf32, #tpu.memory_space<vmem>>, %arg3: memref<1x128x512xi32, #tpu.memory_space<vmem>>, %arg4: memref<1x128x512xf32, #tpu.memory_space<vmem>>, %arg5: memref<1x128x512xf32, #tpu.memory_space<vmem>>) attributes {dimension_semantics = [#tpu.dimension_semantics<arbitrary>, #tpu.dimension_semantics<arbitrary>], iteration_bounds = array<i64: 8, 4>, scalar_prefetch = 0 : i64, scratch_operands = 0 : i64, tpu.core_type = #tpu.core_type<tc>, window_params = [{transform_indices = @transform_0, window_bounds = array<i64: 1, 19, 128, 512>}, {transform_indices = @transform_1, window_bounds = array<i64: 1, 128, 512>}, {transform_indices = @transform_2, window_bounds = array<i64: 1, 128, 512>}, {transform_indices = @transform_3, window_bounds = array<i64: 1, 128, 512>}]} {
    %get3A = arith.constant 0 : index
    %get3A_0 = arith.constant 0 : index
    %get3A_1 = arith.constant 0 : index
    %get3A_2 = arith.constant 0 : index
    %get3A_3 = vector.load %arg2[%get3A, %get3A_0, %get3A_1, %get3A_2] : memref<1x19x128x512xf32, #tpu.memory_space<vmem>>, vector<1x19x128x512xf32>
    %get3A_4 = arith.constant 0 : index
    %get3A_5 = arith.constant 0 : index
    %get3A_6 = arith.constant 0 : index
    %get3A_7 = vector.load %arg3[%get3A_4, %get3A_5, %get3A_6] : memref<1x128x512xi32, #tpu.memory_space<vmem>>, vector<1x128x512xi32>
    %reduce_max3A = arith.constant dense<0xFF800000> : vector<1x128x512xf32>
    %reduce_max3A_8 = vector.multi_reduction <maximumf>, %get3A_3, %reduce_max3A [1] : vector<1x19x128x512xf32> to vector<1x128x512xf32>
    %broadcast_in_dim3A = vector.shape_cast %reduce_max3A_8 : vector<1x128x512xf32> to vector<1x1x128x512xf32>
    %sub3A = vector.broadcast %broadcast_in_dim3A : vector<1x1x128x512xf32> to vector<1x19x128x512xf32>
    %sub3A_9 = arith.subf %get3A_3, %sub3A : vector<1x19x128x512xf32>
    %exp3A = math.exp %sub3A_9 : vector<1x19x128x512xf32>
    %reduce_sum3A = arith.constant dense<0.000000e+00> : vector<1x128x512xf32>
    %reduce_sum3A_10 = vector.multi_reduction <add>, %exp3A, %reduce_sum3A [1] : vector<1x19x128x512xf32> to vector<1x128x512xf32>
    %log3A = math.log %reduce_sum3A_10 : vector<1x128x512xf32>
    %add3A = arith.addf %reduce_max3A_8, %log3A : vector<1x128x512xf32>
    %iota3A = tpu.iota {dimensions = array<i32: 1>} : vector<1x19x128x512xi32>
    %broadcast_in_dim3A_11 = vector.shape_cast %get3A_7 : vector<1x128x512xi32> to vector<1x1x128x512xi32>
    %eq3A = vector.broadcast %broadcast_in_dim3A_11 : vector<1x1x128x512xi32> to vector<1x19x128x512xi32>
    %eq3A_12 = arith.cmpi eq, %iota3A, %eq3A : vector<1x19x128x512xi32>
    %jit3A = arith.constant 0.000000e+00 : f32
    %broadcast_in_dim3A_13 = vector.broadcast %jit3A : f32 to vector<1x19x128x512xf32>
    %select_n3A = arith.select %eq3A_12, %get3A_3, %broadcast_in_dim3A_13 : vector<1x19x128x512xi1>, vector<1x19x128x512xf32>
    %reduce_sum3A_14 = arith.constant dense<0.000000e+00> : vector<1x128x512xf32>
    %reduce_sum3A_15 = vector.multi_reduction <add>, %select_n3A, %reduce_sum3A_14 [1] : vector<1x19x128x512xf32> to vector<1x128x512xf32>
    %sub3A_16 = arith.subf %add3A, %reduce_sum3A_15 : vector<1x128x512xf32>
    %swap3A = arith.constant 0 : index
    %swap3A_17 = arith.constant 0 : index
    %swap3A_18 = arith.constant 0 : index
    %swap3A_19 = vector.load %arg5[%swap3A, %swap3A_17, %swap3A_18] : memref<1x128x512xf32, #tpu.memory_space<vmem>>, vector<1x128x512xf32>
    tpu.vector_store %arg5[%swap3A, %swap3A_17, %swap3A_18], %sub3A_16 {strides = array<i32>} : memref<1x128x512xf32, #tpu.memory_space<vmem>>, vector<1x128x512xf32>,
    %neg3A = arith.constant 0.000000e+00 : f32
    %neg3A_20 = vector.broadcast %neg3A : f32 to vector<1x128x512xf32>
    %neg3A_21 = arith.subf %neg3A_20, %sub3A_16 : vector<1x128x512xf32>
    %exp3A_22 = math.exp %neg3A_21 : vector<1x128x512xf32>
    %swap3A_23 = arith.constant 0 : index
    %swap3A_24 = arith.constant 0 : index
    %swap3A_25 = arith.constant 0 : index
    %swap3A_26 = vector.load %arg4[%swap3A_23, %swap3A_24, %swap3A_25] : memref<1x128x512xf32, #tpu.memory_space<vmem>>, vector<1x128x512xf32>
    tpu.vector_store %arg4[%swap3A_23, %swap3A_24, %swap3A_25], %exp3A_22 {strides = array<i32>} : memref<1x128x512xf32, #tpu.memory_space<vmem>>, vector<1x128x512xf32>,
    return
  }
  func.func @transform_0(%arg0: i32, %arg1: i32) -> (i32, i32, i32, i32) {
    %c0_i32 = arith.constant 0 : i32
    %c0_i32_0 = arith.constant 0 : i32
    %c0_i32_1 = arith.constant 0 : i32
    return %arg0, %c0_i32, %arg1, %c0_i32_0 : i32, i32, i32, i32
  }
  func.func @transform_1(%arg0: i32, %arg1: i32) -> (i32, i32, i32) {
    %c0_i32 = arith.constant 0 : i32
    %c0_i32_0 = arith.constant 0 : i32
    return %arg0, %arg1, %c0_i32 : i32, i32, i32
  }
  func.func @transform_2(%arg0: i32, %arg1: i32) -> (i32, i32, i32) {
    %c0_i32 = arith.constant 0 : i32
    %c0_i32_0 = arith.constant 0 : i32
    return %arg0, %arg1, %c0_i32 : i32, i32, i32
  }
  func.func @transform_3(%arg0: i32, %arg1: i32) -> (i32, i32, i32) {
    %c0_i32 = arith.constant 0 : i32
    %c0_i32_0 = arith.constant 0 : i32
    return %arg0, %arg1, %c0_i32 : i32, i32, i32
  }
}

module attributes {stable_mosaic.version = 14 : i64} {
  func.func @body(%arg0: memref<32x256x128xi32, #tpu.memory_space<vmem>>, %arg1: memref<32x256x128xf32, #tpu.memory_space<vmem>>, %arg2: memref<8x128xi32, #tpu.memory_space<vmem>>, %arg3: memref<8x128xf32, #tpu.memory_space<vmem>>) attributes {dimension_semantics = [], scalar_prefetch = 0 : i64, scratch_operands = 0 : i64, tpu.core_type = #tpu.core_type<tc>} {
    %get3A = arith.constant 0 : index
    %get3A_0 = arith.constant 0 : index
    %get3A_1 = arith.constant 0 : index
    %get3A_2 = vector.load %arg0[%get3A, %get3A_0, %get3A_1] : memref<32x256x128xi32, #tpu.memory_space<vmem>>, vector<32x256x128xi32>
    %convert_element_type3A = arith.sitofp %get3A_2 : vector<32x256x128xi32> to vector<32x256x128xf32>
    %reduce_sum3A = arith.constant dense<0.000000e+00> : vector<256x128xf32>
    %reduce_sum3A_3 = vector.multi_reduction <add>, %convert_element_type3A, %reduce_sum3A [0] : vector<32x256x128xf32> to vector<256x128xf32>
    %get3A_4 = arith.constant 0 : index
    %get3A_5 = arith.constant 0 : index
    %get3A_6 = arith.constant 0 : index
    %get3A_7 = vector.load %arg1[%get3A_4, %get3A_5, %get3A_6] : memref<32x256x128xf32, #tpu.memory_space<vmem>>, vector<32x256x128xf32>
    %reduce_sum3A_8 = arith.constant dense<0.000000e+00> : vector<256x128xf32>
    %reduce_sum3A_9 = vector.multi_reduction <add>, %get3A_7, %reduce_sum3A_8 [0] : vector<32x256x128xf32> to vector<256x128xf32>
    %iota3A = tpu.iota {dimensions = array<i32: 0>} : vector<128x128xi32>
    %iota3A_10 = tpu.iota {dimensions = array<i32: 1>} : vector<128x128xi32>
    %le3A = arith.cmpi sle, %iota3A, %iota3A_10 : vector<128x128xi32>
    %convert_element_type3A_11 = arith.extui %le3A : vector<128x128xi1> to vector<128x128xi32>
    %convert_element_type3A_12 = arith.sitofp %convert_element_type3A_11 : vector<128x128xi32> to vector<128x128xf32>
    %iota3A_13 = tpu.iota {dimensions = array<i32: 0>} : vector<256x256xi32>
    %iota3A_14 = tpu.iota {dimensions = array<i32: 1>} : vector<256x256xi32>
    %lt3A = arith.cmpi slt, %iota3A_14, %iota3A_13 : vector<256x256xi32>
    %convert_element_type3A_15 = arith.extui %lt3A : vector<256x256xi1> to vector<256x256xi32>
    %convert_element_type3A_16 = arith.sitofp %convert_element_type3A_15 : vector<256x256xi32> to vector<256x256xf32>
    %dot_general3A = arith.constant dense<0.000000e+00> : vector<256x128xf32>
    %dot_general3A_17 = tpu.matmul %reduce_sum3A_3, %convert_element_type3A_12, %dot_general3A {dimension_numbers = #tpu.dot_dimension_numbers<[1], [0], [0], [1], [0, 0, 1, 1], [], []>, transpose_lhs_hint = false} : vector<256x128xf32>, vector<128x128xf32>, vector<256x128xf32> -> vector<256x128xf32>
    %reduce_sum3A_18 = arith.constant dense<0.000000e+00> : vector<256xf32>
    %reduce_sum3A_19 = vector.multi_reduction <add>, %reduce_sum3A_3, %reduce_sum3A_18 [1] : vector<256x128xf32> to vector<256xf32>
    %broadcast_in_dim3A = vector.shape_cast %reduce_sum3A_19 : vector<256xf32> to vector<256x1xf32>
    %dot_general3A_20 = arith.constant dense<0.000000e+00> : vector<256x1xf32>
    %dot_general3A_21 = tpu.matmul %convert_element_type3A_16, %broadcast_in_dim3A, %dot_general3A_20 {dimension_numbers = #tpu.dot_dimension_numbers<[1], [0], [0], [1], [0, 0, 1, 1], [], []>, transpose_lhs_hint = false} : vector<256x256xf32>, vector<256x1xf32>, vector<256x1xf32> -> vector<256x1xf32>
    %add3A = vector.broadcast %dot_general3A_21 : vector<256x1xf32> to vector<256x128xf32>
    %add3A_22 = arith.addf %dot_general3A_17, %add3A : vector<256x128xf32>
    %iota3A_23 = tpu.iota {dimensions = array<i32: 0>} : vector<256x128xi32>
    %iota3A_24 = tpu.iota {dimensions = array<i32: 1>} : vector<256x128xi32>
    %mul3A = arith.constant 128 : i32
    %mul3A_25 = vector.broadcast %mul3A : i32 to vector<256x128xi32>
    %mul3A_26 = arith.muli %iota3A_23, %mul3A_25 : vector<256x128xi32>
    %add3A_27 = arith.addi %mul3A_26, %iota3A_24 : vector<256x128xi32>
    %convert_element_type3A_28 = arith.sitofp %add3A_27 : vector<256x128xi32> to vector<256x128xf32>
    %le3A_29 = arith.constant 3.500000e+05 : f32
    %le3A_30 = vector.broadcast %le3A_29 : f32 to vector<256x128xf32>
    %le3A_31 = arith.cmpf ole, %add3A_22, %le3A_30 : vector<256x128xf32>
    %convert_element_type3A_32 = arith.extui %le3A_31 : vector<256x128xi1> to vector<256x128xi32>
    %convert_element_type3A_33 = arith.sitofp %convert_element_type3A_32 : vector<256x128xi32> to vector<256x128xf32>
    %reduce_sum3A_34 = vector.shape_cast %convert_element_type3A_33 : vector<256x128xf32> to vector<1x256x128xf32>
    %reduce_sum3A_35 = arith.constant dense<0.000000e+00> : vector<1xf32>
    %reduce_sum3A_36 = vector.multi_reduction <add>, %reduce_sum3A_34, %reduce_sum3A_35 [1, 2] : vector<1x256x128xf32> to vector<1xf32>
    %reduce_sum3A_37 = vector.shape_cast %reduce_sum3A_36 : vector<1xf32> to vector<1x1x1xf32>
    %reduce_sum3A_38 = vector.extract %reduce_sum3A_37[0, 0, 0] : f32 from vector<1x1x1xf32>
    %jit3A = arith.constant 0.000000e+00 : f32
    %broadcast_in_dim3A_39 = vector.broadcast %jit3A : f32 to vector<256x128xf32>
    %select_n3A = arith.select %le3A_31, %reduce_sum3A_3, %broadcast_in_dim3A_39 : vector<256x128xi1>, vector<256x128xf32>
    %reduce_sum3A_40 = vector.shape_cast %select_n3A : vector<256x128xf32> to vector<1x256x128xf32>
    %reduce_sum3A_41 = arith.constant dense<0.000000e+00> : vector<1xf32>
    %reduce_sum3A_42 = vector.multi_reduction <add>, %reduce_sum3A_40, %reduce_sum3A_41 [1, 2] : vector<1x256x128xf32> to vector<1xf32>
    %reduce_sum3A_43 = vector.shape_cast %reduce_sum3A_42 : vector<1xf32> to vector<1x1x1xf32>
    %reduce_sum3A_44 = vector.extract %reduce_sum3A_43[0, 0, 0] : f32 from vector<1x1x1xf32>
    %max3A = arith.constant 3.230700e+04 : f32
    %max3A_45 = arith.maximumf %reduce_sum3A_38, %max3A : f32
    %ge3A = arith.constant 3.230700e+04 : f32
    %ge3A_46 = arith.cmpf oge, %reduce_sum3A_38, %ge3A : f32
    %convert_element_type3A_47 = arith.extui %ge3A_46 : i1 to i32
    %ge3A_48 = arith.constant 3.230700e+04 : f32
    %ge3A_49 = arith.cmpf oge, %ge3A_48, %reduce_sum3A_38 : f32
    %convert_element_type3A_50 = arith.extui %ge3A_49 : i1 to i32
    %sub3A = arith.constant 3.500000e+05 : f32
    %sub3A_51 = arith.subf %sub3A, %reduce_sum3A_44 : f32
    %lt3A_52 = vector.broadcast %max3A_45 : f32 to vector<256x128xf32>
    %lt3A_53 = arith.cmpf olt, %convert_element_type3A_28, %lt3A_52 : vector<256x128xf32>
    %jit3A_54 = arith.constant 0.000000e+00 : f32
    %broadcast_in_dim3A_55 = vector.broadcast %jit3A_54 : f32 to vector<256x128xf32>
    %select_n3A_56 = arith.select %lt3A_53, %reduce_sum3A_3, %broadcast_in_dim3A_55 : vector<256x128xi1>, vector<256x128xf32>
    %reduce_sum3A_57 = vector.shape_cast %select_n3A_56 : vector<256x128xf32> to vector<1x256x128xf32>
    %reduce_sum3A_58 = arith.constant dense<0.000000e+00> : vector<1xf32>
    %reduce_sum3A_59 = vector.multi_reduction <add>, %reduce_sum3A_57, %reduce_sum3A_58 [1, 2] : vector<1x256x128xf32> to vector<1xf32>
    %reduce_sum3A_60 = vector.shape_cast %reduce_sum3A_59 : vector<1xf32> to vector<1x1x1xf32>
    %reduce_sum3A_61 = vector.extract %reduce_sum3A_60[0, 0, 0] : f32 from vector<1x1x1xf32>
    %jit3A_62 = arith.constant 0.000000e+00 : f32
    %broadcast_in_dim3A_63 = vector.broadcast %jit3A_62 : f32 to vector<256x128xf32>
    %select_n3A_64 = arith.select %lt3A_53, %reduce_sum3A_9, %broadcast_in_dim3A_63 : vector<256x128xi1>, vector<256x128xf32>
    %reduce_sum3A_65 = vector.shape_cast %select_n3A_64 : vector<256x128xf32> to vector<1x256x128xf32>
    %reduce_sum3A_66 = arith.constant dense<0.000000e+00> : vector<1xf32>
    %reduce_sum3A_67 = vector.multi_reduction <add>, %reduce_sum3A_65, %reduce_sum3A_66 [1, 2] : vector<1x256x128xf32> to vector<1xf32>
    %reduce_sum3A_68 = vector.shape_cast %reduce_sum3A_67 : vector<1xf32> to vector<1x1x1xf32>
    %reduce_sum3A_69 = vector.extract %reduce_sum3A_68[0, 0, 0] : f32 from vector<1x1x1xf32>
    %iota3A_70 = tpu.iota {dimensions = array<i32: 0>} : vector<8x128xi32>
    %convert_element_type3A_71 = arith.fptosi %max3A_45 : f32 to i32
    %convert_element_type3A_72 = arith.fptosi %sub3A_51 : f32 to i32
    %eq3A = arith.constant 0 : i32
    %eq3A_73 = vector.broadcast %eq3A : i32 to vector<8x128xi32>
    %eq3A_74 = arith.cmpi eq, %iota3A_70, %eq3A_73 : vector<8x128xi32>
    %eq3A_75 = arith.constant 1 : i32
    %eq3A_76 = vector.broadcast %eq3A_75 : i32 to vector<8x128xi32>
    %eq3A_77 = arith.cmpi eq, %iota3A_70, %eq3A_76 : vector<8x128xi32>
    %eq3A_78 = arith.constant 2 : i32
    %eq3A_79 = vector.broadcast %eq3A_78 : i32 to vector<8x128xi32>
    %eq3A_80 = arith.cmpi eq, %iota3A_70, %eq3A_79 : vector<8x128xi32>
    %broadcast_in_dim3A_81 = vector.broadcast %convert_element_type3A_47 : i32 to vector<8x128xi32>
    %broadcast_in_dim3A_82 = vector.broadcast %convert_element_type3A_50 : i32 to vector<8x128xi32>
    %select_n3A_83 = arith.select %eq3A_80, %broadcast_in_dim3A_81, %broadcast_in_dim3A_82 : vector<8x128xi1>, vector<8x128xi32>
    %broadcast_in_dim3A_84 = vector.broadcast %convert_element_type3A_72 : i32 to vector<8x128xi32>
    %select_n3A_85 = arith.select %eq3A_77, %broadcast_in_dim3A_84, %select_n3A_83 : vector<8x128xi1>, vector<8x128xi32>
    %broadcast_in_dim3A_86 = vector.broadcast %convert_element_type3A_71 : i32 to vector<8x128xi32>
    %select_n3A_87 = arith.select %eq3A_74, %broadcast_in_dim3A_86, %select_n3A_85 : vector<8x128xi1>, vector<8x128xi32>
    %swap3A = arith.constant 0 : index
    %swap3A_88 = arith.constant 0 : index
    %swap3A_89 = vector.load %arg2[%swap3A, %swap3A_88] : memref<8x128xi32, #tpu.memory_space<vmem>>, vector<8x128xi32>
    tpu.vector_store %arg2[%swap3A, %swap3A_88], %select_n3A_87 {strides = array<i32>} : memref<8x128xi32, #tpu.memory_space<vmem>>, vector<8x128xi32>,
    %eq3A_90 = arith.constant 0 : i32
    %eq3A_91 = vector.broadcast %eq3A_90 : i32 to vector<8x128xi32>
    %eq3A_92 = arith.cmpi eq, %iota3A_70, %eq3A_91 : vector<8x128xi32>
    %eq3A_93 = arith.constant 1 : i32
    %eq3A_94 = vector.broadcast %eq3A_93 : i32 to vector<8x128xi32>
    %eq3A_95 = arith.cmpi eq, %iota3A_70, %eq3A_94 : vector<8x128xi32>
    %jit3A_96 = arith.constant 0.000000e+00 : f32
    %broadcast_in_dim3A_97 = vector.broadcast %reduce_sum3A_61 : f32 to vector<8x128xf32>
    %broadcast_in_dim3A_98 = vector.broadcast %jit3A_96 : f32 to vector<8x128xf32>
    %select_n3A_99 = arith.select %eq3A_95, %broadcast_in_dim3A_97, %broadcast_in_dim3A_98 : vector<8x128xi1>, vector<8x128xf32>
    %broadcast_in_dim3A_100 = vector.broadcast %reduce_sum3A_69 : f32 to vector<8x128xf32>
    %select_n3A_101 = arith.select %eq3A_92, %broadcast_in_dim3A_100, %select_n3A_99 : vector<8x128xi1>, vector<8x128xf32>
    %swap3A_102 = arith.constant 0 : index
    %swap3A_103 = arith.constant 0 : index
    %swap3A_104 = vector.load %arg3[%swap3A_102, %swap3A_103] : memref<8x128xf32, #tpu.memory_space<vmem>>, vector<8x128xf32>
    tpu.vector_store %arg3[%swap3A_102, %swap3A_103], %select_n3A_101 {strides = array<i32>} : memref<8x128xf32, #tpu.memory_space<vmem>>, vector<8x128xf32>,
    return
  }
}

module attributes {stable_mosaic.version = 14 : i64} {
  func.func @body(%arg0: memref<32x256x128xi32, #tpu.memory_space<vmem>>, %arg1: memref<32x256x128xf32, #tpu.memory_space<vmem>>, %arg2: memref<8x128xi32, #tpu.memory_space<smem>>, %arg3: memref<8x128xf32, #tpu.memory_space<smem>>, %arg4: memref<1x1xf32, #tpu.memory_space<smem>>) attributes {dimension_semantics = [], scalar_prefetch = 0 : i64, scratch_operands = 0 : i64, tpu.core_type = #tpu.core_type<tc>} {
    %get3A = arith.constant 0 : index
    %get3A_0 = arith.constant 0 : index
    %get3A_1 = arith.constant 0 : index
    %get3A_2 = vector.load %arg0[%get3A, %get3A_0, %get3A_1] : memref<32x256x128xi32, #tpu.memory_space<vmem>>, vector<32x256x128xi32>
    %convert_element_type3A = arith.sitofp %get3A_2 : vector<32x256x128xi32> to vector<32x256x128xf32>
    %reduce_sum3A = arith.constant dense<0.000000e+00> : vector<256x128xf32>
    %reduce_sum3A_3 = vector.multi_reduction <add>, %convert_element_type3A, %reduce_sum3A [0] : vector<32x256x128xf32> to vector<256x128xf32>
    %get3A_4 = arith.constant 0 : index
    %get3A_5 = arith.constant 0 : index
    %get3A_6 = arith.constant 0 : index
    %get3A_7 = vector.load %arg1[%get3A_4, %get3A_5, %get3A_6] : memref<32x256x128xf32, #tpu.memory_space<vmem>>, vector<32x256x128xf32>
    %reduce_sum3A_8 = arith.constant dense<0.000000e+00> : vector<256x128xf32>
    %reduce_sum3A_9 = vector.multi_reduction <add>, %get3A_7, %reduce_sum3A_8 [0] : vector<32x256x128xf32> to vector<256x128xf32>
    %iota3A = tpu.iota {dimensions = array<i32: 0>} : vector<128x128xi32>
    %iota3A_10 = tpu.iota {dimensions = array<i32: 1>} : vector<128x128xi32>
    %le3A = arith.cmpi sle, %iota3A, %iota3A_10 : vector<128x128xi32>
    %convert_element_type3A_11 = arith.extui %le3A : vector<128x128xi1> to vector<128x128xi32>
    %convert_element_type3A_12 = arith.sitofp %convert_element_type3A_11 : vector<128x128xi32> to vector<128x128xf32>
    %iota3A_13 = tpu.iota {dimensions = array<i32: 0>} : vector<256x256xi32>
    %iota3A_14 = tpu.iota {dimensions = array<i32: 1>} : vector<256x256xi32>
    %lt3A = arith.cmpi slt, %iota3A_14, %iota3A_13 : vector<256x256xi32>
    %convert_element_type3A_15 = arith.extui %lt3A : vector<256x256xi1> to vector<256x256xi32>
    %convert_element_type3A_16 = arith.sitofp %convert_element_type3A_15 : vector<256x256xi32> to vector<256x256xf32>
    %dot_general3A = arith.constant dense<0.000000e+00> : vector<256x128xf32>
    %dot_general3A_17 = tpu.matmul %reduce_sum3A_3, %convert_element_type3A_12, %dot_general3A {dimension_numbers = #tpu.dot_dimension_numbers<[1], [0], [0], [1], [0, 0, 1, 1], [], []>, transpose_lhs_hint = false} : vector<256x128xf32>, vector<128x128xf32>, vector<256x128xf32> -> vector<256x128xf32>
    %reduce_sum3A_18 = arith.constant dense<0.000000e+00> : vector<256xf32>
    %reduce_sum3A_19 = vector.multi_reduction <add>, %reduce_sum3A_3, %reduce_sum3A_18 [1] : vector<256x128xf32> to vector<256xf32>
    %broadcast_in_dim3A = vector.shape_cast %reduce_sum3A_19 : vector<256xf32> to vector<256x1xf32>
    %dot_general3A_20 = arith.constant dense<0.000000e+00> : vector<256x1xf32>
    %dot_general3A_21 = tpu.matmul %convert_element_type3A_16, %broadcast_in_dim3A, %dot_general3A_20 {dimension_numbers = #tpu.dot_dimension_numbers<[1], [0], [0], [1], [0, 0, 1, 1], [], []>, transpose_lhs_hint = false} : vector<256x256xf32>, vector<256x1xf32>, vector<256x1xf32> -> vector<256x1xf32>
    %add3A = vector.broadcast %dot_general3A_21 : vector<256x1xf32> to vector<256x128xf32>
    %add3A_22 = arith.addf %dot_general3A_17, %add3A : vector<256x128xf32>
    %iota3A_23 = tpu.iota {dimensions = array<i32: 0>} : vector<256x128xi32>
    %iota3A_24 = tpu.iota {dimensions = array<i32: 1>} : vector<256x128xi32>
    %mul3A = arith.constant 128 : i32
    %mul3A_25 = vector.broadcast %mul3A : i32 to vector<256x128xi32>
    %mul3A_26 = arith.muli %iota3A_23, %mul3A_25 : vector<256x128xi32>
    %add3A_27 = arith.addi %mul3A_26, %iota3A_24 : vector<256x128xi32>
    %convert_element_type3A_28 = arith.sitofp %add3A_27 : vector<256x128xi32> to vector<256x128xf32>
    %get3A_29 = arith.constant 1 : index
    %get3A_30 = arith.constant 0 : index
    %get3A_31 = memref.load %arg2[%get3A_29, %get3A_30] : memref<8x128xi32, #tpu.memory_space<smem>>
    %convert_element_type3A_32 = arith.sitofp %get3A_31 : i32 to f32
    %get3A_33 = arith.constant 2 : index
    %get3A_34 = arith.constant 0 : index
    %get3A_35 = memref.load %arg2[%get3A_33, %get3A_34] : memref<8x128xi32, #tpu.memory_space<smem>>
    %get3A_36 = arith.constant 3 : index
    %get3A_37 = arith.constant 0 : index
    %get3A_38 = memref.load %arg2[%get3A_36, %get3A_37] : memref<8x128xi32, #tpu.memory_space<smem>>
    %get3A_39 = arith.constant 0 : index
    %get3A_40 = arith.constant 0 : index
    %get3A_41 = memref.load %arg3[%get3A_39, %get3A_40] : memref<8x128xf32, #tpu.memory_space<smem>>
    %get3A_42 = arith.constant 1 : index
    %get3A_43 = arith.constant 0 : index
    %get3A_44 = memref.load %arg3[%get3A_42, %get3A_43] : memref<8x128xf32, #tpu.memory_space<smem>>
    %le3A_45 = vector.broadcast %convert_element_type3A_32 : f32 to vector<256x128xf32>
    %le3A_46 = arith.cmpf ole, %add3A_22, %le3A_45 : vector<256x128xf32>
    %convert_element_type3A_47 = arith.extui %le3A_46 : vector<256x128xi1> to vector<256x128xi32>
    %convert_element_type3A_48 = arith.sitofp %convert_element_type3A_47 : vector<256x128xi32> to vector<256x128xf32>
    %reduce_sum3A_49 = vector.shape_cast %convert_element_type3A_48 : vector<256x128xf32> to vector<1x256x128xf32>
    %reduce_sum3A_50 = arith.constant dense<0.000000e+00> : vector<1xf32>
    %reduce_sum3A_51 = vector.multi_reduction <add>, %reduce_sum3A_49, %reduce_sum3A_50 [1, 2] : vector<1x256x128xf32> to vector<1xf32>
    %reduce_sum3A_52 = vector.shape_cast %reduce_sum3A_51 : vector<1xf32> to vector<1x1x1xf32>
    %reduce_sum3A_53 = vector.extract %reduce_sum3A_52[0, 0, 0] : f32 from vector<1x1x1xf32>
    %eq3A = arith.constant 1 : i32
    %eq3A_54 = arith.cmpi eq, %get3A_35, %eq3A : i32
    %jit3A = arith.constant -1.000000e+00 : f32
    %select_n3A = arith.select %eq3A_54, %reduce_sum3A_53, %jit3A : f32
    %eq3A_55 = arith.constant 1 : i32
    %eq3A_56 = arith.cmpi eq, %get3A_38, %eq3A_55 : i32
    %jit3A_57 = arith.constant 6.554000e+03 : f32
    %jit3A_58 = arith.constant -1.000000e+00 : f32
    %select_n3A_59 = arith.select %eq3A_56, %jit3A_57, %jit3A_58 : f32
    %max3A = arith.maximumf %select_n3A, %select_n3A_59 : f32
    %lt3A_60 = vector.broadcast %max3A : f32 to vector<256x128xf32>
    %lt3A_61 = arith.cmpf olt, %convert_element_type3A_28, %lt3A_60 : vector<256x128xf32>
    %jit3A_62 = arith.constant 0.000000e+00 : f32
    %broadcast_in_dim3A_63 = vector.broadcast %jit3A_62 : f32 to vector<256x128xf32>
    %select_n3A_64 = arith.select %lt3A_61, %reduce_sum3A_3, %broadcast_in_dim3A_63 : vector<256x128xi1>, vector<256x128xf32>
    %reduce_sum3A_65 = vector.shape_cast %select_n3A_64 : vector<256x128xf32> to vector<1x256x128xf32>
    %reduce_sum3A_66 = arith.constant dense<0.000000e+00> : vector<1xf32>
    %reduce_sum3A_67 = vector.multi_reduction <add>, %reduce_sum3A_65, %reduce_sum3A_66 [1, 2] : vector<1x256x128xf32> to vector<1xf32>
    %reduce_sum3A_68 = vector.shape_cast %reduce_sum3A_67 : vector<1xf32> to vector<1x1x1xf32>
    %reduce_sum3A_69 = vector.extract %reduce_sum3A_68[0, 0, 0] : f32 from vector<1x1x1xf32>
    %add3A_70 = arith.addf %get3A_44, %reduce_sum3A_69 : f32
    %jit3A_71 = arith.constant 0.000000e+00 : f32
    %broadcast_in_dim3A_72 = vector.broadcast %jit3A_71 : f32 to vector<256x128xf32>
    %select_n3A_73 = arith.select %lt3A_61, %reduce_sum3A_9, %broadcast_in_dim3A_72 : vector<256x128xi1>, vector<256x128xf32>
    %reduce_sum3A_74 = vector.shape_cast %select_n3A_73 : vector<256x128xf32> to vector<1x256x128xf32>
    %reduce_sum3A_75 = arith.constant dense<0.000000e+00> : vector<1xf32>
    %reduce_sum3A_76 = vector.multi_reduction <add>, %reduce_sum3A_74, %reduce_sum3A_75 [1, 2] : vector<1x256x128xf32> to vector<1xf32>
    %reduce_sum3A_77 = vector.shape_cast %reduce_sum3A_76 : vector<1xf32> to vector<1x1x1xf32>
    %reduce_sum3A_78 = vector.extract %reduce_sum3A_77[0, 0, 0] : f32 from vector<1x1x1xf32>
    %add3A_79 = arith.addf %get3A_41, %reduce_sum3A_78 : f32
    %max3A_80 = arith.constant 1.000000e+00 : f32
    %max3A_81 = arith.maximumf %add3A_70, %max3A_80 : f32
    %div3A = arith.divf %add3A_79, %max3A_81 : f32
    %swap3A = arith.constant 0 : index
    %swap3A_82 = arith.constant 0 : index
    %swap3A_83 = memref.load %arg4[%swap3A, %swap3A_82] : memref<1x1xf32, #tpu.memory_space<smem>>
    memref.store %div3A, %arg4[%swap3A, %swap3A_82] : memref<1x1xf32, #tpu.memory_space<smem>>
    return
  }
}

</mosaic_0001>

<sc_bundles>
// kernel: kernel.10.cloned.1.call-start
scs
__scs_entry_jumppad:
0x0: {  	(pc) =	sbr.rel $0x88, $3  }
0x1: {  	(tag) =	ssettag $0x0;
	lr =	simm.s32 $0x1  }
0x2: {  	[smem:$0x3F9F] =	sst lr;
	_ =	strace $0xD0000000  }
0x3: {  	_ = 	snop  }
0x4: {  	_ = 	snop  }
0x5: {  	_ = 	snop  }
0x6: {  	_ = 	snop  }
0x7: {  	_ = 	snop  }
__scs_overlays_trampoline_lowered:
0x8: {  	[smem:$0x3FAE] =	sst s0  }
0x9: {  	[smem:$0x3FAF] =	sst s1  }
0xa: {  	[smem:$0x3FB0] =	sst s2  }
0xb: {  	[smem:$0x3FB1] =	sst s3  }
0xc: {  	[smem:$0x3FB2] =	sst s4  }
0xd: {  	[smem:$0x3FB3] =	sst s5  }
0xe: {  	[smem:$0x3FB4] =	sst s6  }
0xf: {  	[smem:$0x3FB5] =	sst s7  }
0x10: {  	[smem:$0x3FB6] =	sst s8  }
0x11: {  	[smem:$0x3FB7] =	sst s9;
	s0 =	simm.s32 @!p0 $0x0  }
0x12: {  	s1 =	sld [smem:$0x3F9D];
	s0 =	simm.s32 @p0 $0x1  }
0x13: {  	[smem:$0x3FB8] =	sst s0;
	s0 =	simm.s32 @!p1 $0x0  }
0x14: {  	s2 =	sld [smem:$0x3F9C];
	s0 =	simm.s32 @p1 $0x1  }
0x15: {  	[smem:$0x3FB9] =	sst s0;
	s0 =	simm.s32 @!p2 $0x0  }
0x16: {  	s3 =	sld [smem:$0x3FDB];
	s0 =	simm.s32 @p2 $0x1  }
0x17: {  	s4 =	simm.s32 $0x1BF5;
	[smem:$0x3FBB] =	sst s0  }
0x18: {  	s0 =	sld [smem:$0x3F9E];
	_ =	swait.ge [sflag:s4], $0x0  }
0x19: {  	s7 =	sld [smem:$0x3F9F]  }
0x1a: {  	s8 =	sadd.s32 $0xFFFFE003, lr  }
0x1b: {  	s9 =	sadd.s32 $0xFFFFFEF7, lr;
	s5 =	simm.s32 $0xFFFFFFFF;
	p2 =	slt.u32 s8, $0xFFFFF086  }
0x1c: {  	p1 =	slt.u32 s9, $0xF7A;
	s5 =	simm.s32 @!p2 $0x0  }
0x1d: {  	s5 =	simm.s32 @p1 $0x1;
	p0 =	seq.s32 s7, s2  }
0x1e: {  	s7 =	smul.u32 @!p0 $0xF7A, s2;
	p2 =	seq.s32 @!p0 s5, $0x0  }
0x1f: {  	s9 =	smul.u32 $0xF7A, s1;
	s8 =	simm.s32 @!p0 $0x1BF5;
	p2 =	por !p2, p0  }
0x20: {  	[sflag:s8] =	ssyncset.s32 @!p0 $0xFFFFF086;
	s6 =	sadd.s32 @!p0 s3, s7;
	s7 =	simm.s32 @!p0 $0x108  }
0x21: {  	s3 =	sadd.s32 s3, s9;
	s6 =	sadd.s32 @!p0 $0x88, s6;
	s7 =	simm.s32 @p2 $0x1082  }
0x22: {  	[simem:s7], [sflag:s8] =	dma.local @!p0 [hbm:s6], $0xF7A  }
0x23: {  	s9 =	sor.u32 $0xD0000000, s2;
	s6 =	simm.s32 $0x108;
	_ =	swait.ge @!p0 [sflag:s8], $0x0  }
0x24: {  	s3 =	sadd.s32 $0x88, s3;
	s6 =	simm.s32 @!p1 $0x1082;
	[sflag:s4] =	ssyncset.s32 $0xFFFFF086  }
0x25: {  	[simem:s6], [sflag:s4] =	dma.local [hbm:s3], $0xF7A  }
0x26: {  	[smem:$0x3F9F] =	sst s1;
	(tag) =	ssettag s2;
	_ =	strace s9  }
0x27: {  	s1 =	sld [smem:$0x3FAF]  }
0x28: {  	s2 =	sld [smem:$0x3FB0]  }
0x29: {  	s4 =	sld [smem:$0x3FB2]  }
0x2a: {  	p0 =	seq.s32 s5, $0x0;
	s5 =	sld [smem:$0x3FB3]  }
0x2b: {  	s6 =	sld [smem:$0x3FB4]  }
0x2c: {  	s7 =	sld [smem:$0x3FB5]  }
0x2d: {  	s3 =	simm.s32 $0x108;
	s8 =	sld [smem:$0x3FB6]  }
0x2e: {  	s3 =	simm.s32 @!p0 $0x1082;
	s9 =	sld [smem:$0x3FB7]  }
0x2f: {  	lr =	sadd.s32 s0, s3;
	s0 =	sld [smem:$0x3FAE]  }
0x30: {  	s3 =	sld [smem:$0x3FB1]  }
0x31: {  	[smem:$0x3FBA] =	sst s10  }
0x32: {  	s10 =	sld [smem:$0x3FB8];
	_ =	sdelay $0x3  }
0x33: {  	p0 =	seq.s32 s10, $0x1;
	s10 =	sld [smem:$0x3FBA];
	_ =	sdelay $0x3  }
0x34: {  	[smem:$0x3FBA] =	sst s10  }
0x35: {  	s10 =	sld [smem:$0x3FB9];
	_ =	sdelay $0x3  }
0x36: {  	p1 =	seq.s32 s10, $0x1;
	s10 =	sld [smem:$0x3FBA];
	_ =	sdelay $0x3  }
0x37: {  	[smem:$0x3FBA] =	sst s10  }
0x38: {  	s10 =	sld [smem:$0x3FBB]  }
0x39: {  	_ = 	snop;
	(pc) =	sbr.ind lr, $3  }
0x3a: {  	_ = 	snop  }
0x3b: {  	_ = 	snop  }
0x3c: {  	p2 =	seq.s32 s10, $0x1;
	s10 =	sld [smem:$0x3FBA]  }
0x3d: {  	_ =	shalt  }
0x3e: {  	_ =	shalt  }
0x3f: {  	_ =	shalt  }
0x40: {  	_ =	shalt  }
0x41: {  	_ =	shalt  }
0x42: {  	_ =	shalt  }
0x43: {  	_ =	shalt  }
0x44: {  	_ =	shalt  }
0x45: {  	_ =	shalt  }
0x46: {  	_ =	shalt  }
0x47: {  	_ =	shalt  }
0x48: {  	_ =	shalt  }
0x49: {  	_ =	shalt  }
0x4a: {  	_ =	shalt  }
0x4b: {  	_ =	shalt  }
0x4c: {  	_ =	shalt  }
0x4d: {  	_ =	shalt  }
0x4e: {  	_ =	shalt  }
0x4f: {  	_ =	shalt  }
0x50: {  	_ =	shalt  }
0x51: {  	_ =	shalt  }
0x52: {  	_ =	shalt  }
0x53: {  	_ =	shalt  }
0x54: {  	_ =	shalt  }
0x55: {  	_ =	shalt  }
0x56: {  	_ =	shalt  }
0x57: {  	_ =	shalt  }
0x58: {  	_ =	shalt  }
0x59: {  	_ =	shalt  }
0x5a: {  	_ =	shalt  }
0x5b: {  	_ =	shalt  }
0x5c: {  	_ =	shalt  }
0x5d: {  	_ =	shalt  }
0x5e: {  	_ =	shalt  }
0x5f: {  	_ =	shalt  }
0x60: {  	_ =	shalt  }
0x61: {  	_ =	shalt  }
0x62: {  	_ =	shalt  }
0x63: {  	_ =	shalt  }
0x64: {  	_ =	shalt  }
0x65: {  	_ =	shalt  }
0x66: {  	_ =	shalt  }
0x67: {  	_ =	shalt  }
0x68: {  	_ =	shalt  }
0x69: {  	_ =	shalt  }
0x6a: {  	_ =	shalt  }
0x6b: {  	_ =	shalt  }
0x6c: {  	_ =	shalt  }
0x6d: {  	_ =	shalt  }
0x6e: {  	_ =	shalt  }
0x6f: {  	_ =	shalt  }
0x70: {  	_ =	shalt  }
0x71: {  	_ =	shalt  }
0x72: {  	_ =	shalt  }
0x73: {  	_ =	shalt  }
0x74: {  	_ =	shalt  }
0x75: {  	_ =	shalt  }
0x76: {  	_ =	shalt  }
0x77: {  	_ =	shalt  }
0x78: {  	_ =	shalt  }
0x79: {  	_ =	shalt  }
0x7a: {  	_ =	shalt  }
0x7b: {  	_ =	shalt  }
0x7c: {  	_ =	shalt  }
0x7d: {  	_ =	shalt  }
0x7e: {  	_ =	shalt  }
0x7f: {  	_ =	shalt  }
0x80: {  	_ =	shalt  }
0x81: {  	_ =	shalt  }
0x82: {  	_ =	shalt  }
0x83: {  	_ =	shalt  }
0x84: {  	_ =	shalt  }
0x85: {  	_ =	shalt  }
0x86: {  	_ =	shalt  }
0x87: {  	_ =	shalt  }
.Lfunc_end0:
.L_simem_size_0:
called_computation.1_lowered:
.L_overlay_start_0:
0x88: {  	s2 =	sld [smem:$0x3FD9]  }
0x89: {  	s3 =	sld [smem:$0x3FFE];
	_ =	sdelay $0x1  }
0x8a: {  	s1 =	srdreg.scid  }
0x8b: {  	s0 =	sand.u32 $0x1, s1  }
0x8c: {  	s16 =	sshll.u32 s0, $0xA;
	s2 =	sadd.s32 s3, s2  }
0x8d: {  	s2 =	sadd.s32 s2, s16  }
0x8e: {  	[smem:$0x3FC6] =	sst s2  }
0x8f: {  	_ = 	snop  }
0x90: {  	(tm) =	ssettm $0x1  }
0x91: {  	s17 =	sld [smem:$0x3FFB];
	_ =	sdelay $0x3  }
0x92: {  	_ =	strace s17  }
0x93: {  	s2 =	sld [smem:$0x3FFC];
	_ =	sdelay $0x3  }
0x94: {  	_ =	strace s2  }
0x95: {  	s2 =	sld [smem:$0x3FFD];
	_ =	sdelay $0x3  }
0x96: {  	_ =	strace s2  }
0x97: {  	_ =	strace $0x8FFFFFFF  }
0x98: {  	s18 =	sld [smem:$0x3FDB];
	_ =	sdelay $0x1  }
0x99: {  	s19 =	simm.s32 $_scs_section_size  }
0x9a: {  	s4 =	simm.s32 $_size__tile_overlayer_lowered;
	s5 =	simm.s32 $_tile_overlayer_lowered  }
0x9b: {  	s22 =	simm.s32 $0x1BFF;
	s21 =	sshll.u32 s5, $0x1;
	s2 =	sadd.s32 s19, s18  }
0x9c: {  	s6 =	simm.s32 $0x0;
	s20 =	sshll.u32 s4, $0x1;
	s4 =	sadd.s32 s21, s2  }
0x9d: {  	[timem:s6], [sflag:s22] =	dma.local [hbm:s4], s20  }
0x9e: {  	_ =	swait.ge [sflag:s22], s20  }
0x9f: {  	s3 =	ssub.s32 $0x0, s20;
	[sflag:s22] =	ssyncset.done $0x0  }
0xa0: {  	[sflag:s22] =	ssyncadd.s32 s3;
	_ =	sdelay $0x1  }
0xa1: {  	s23 =	simm.s32 $0x1B8B  }
0xa2: {  	_ =	swait.ge [sflag:s23], $0x1  }
0xa3: {  	[sflag:s23] =	ssyncset.done $0x0  }
0xa4: {  	s25 =	simm.s32 $0x1B8E;
	s24 =	sld [smem:$0x3FFE];
	[sflag:s23] =	ssyncadd.s32 $0xFFFFFFFF  }
0xa5: {  	s26 =	simm.s32 $execute0_lowered;
	[smem:$0x3FD2] =	sst s25  }
0xa6: {  	s4 =	sshll.u32 s26, $0x1;
	_ =	strace $0x80000049;
	[dreg:$0x1] =	wrdreg $0xFFFFFFFF  }
0xa7: {  	s28 =	simm.s32 $_size_execute0_lowered;
	s2 =	sadd.s32 s2, s4;
	[dreg:$0x0] =	wrdreg $0x0  }
0xa8: {  	s4 =	sshll.u32 s28, $0x1;
	[dreg:$0x2] =	wrdreg s2  }
0xa9: {  	[dreg:$0x3] =	wrdreg s4  }
0xaa: {  	[dreg:$0x4] =	wrdreg $0xC0  }
0xab: {  	_ =	task [dreg:s6], $0x5FFFF  }
0xac: {  	[dreg:$0x1] =	wrdreg $0xFFFFFFFF  }
0xad: {  	[dreg:$0x0] =	wrdreg $0x60  }
0xae: {  	[dreg:$0x2] =	wrdreg s24  }
0xaf: {  	[dreg:$0x3] =	wrdreg $0x9  }
0xb0: {  	_ =	task.clear_ibuf [dreg:s6], $0x4FFFF;
	_ =	strace $0x90000049  }
0xb1: {  	s29 =	simm.s32 $0x9;
	_ =	strace $0x8000004B  }
0xb2: {  	_ =	swait.ge [sflag:s29], $0x1  }
0xb3: {  	[sflag:s29] =	ssyncadd.s32 $0xFFFFFFFF  }
0xb4: {  	_ =	strace $0x9000004B  }
0xb5: {  	_ =	sfence  }
0xb6: {  	s30 =	sld [smem:$0x0];
	_ =	sdelay $0x2  }
0xb7: {  	s31 =	sshll.u32 s1, $0xD;
	s1 =	sshrl.u32 s1, $0x2  }
0xb8: {  	s3 =	sand.u32 $0x4000, s31;
	s1 =	sadd.s32 s1, s30  }
0xb9: {  	s0 =	sor.u32 s3, s0;
	s1 =	sshll.u32 s1, $0x11  }
0xba: {  	s0 =	sor.u32 s1, s0  }
0xbb: {  	s0 =	sadd.s32 $0x8F2B, s0  }
0xbc: {  	[sflag:s0] =	ssyncadd.remote.s32 $0x1  }
0xbd: {  	_ =	sfence.sel $0xFFFF  }
0xbe: {  	[dreg:$0x0] =	wrdreg $0xFFFFFFFF;
	(pc) =	sbr.abs _section_cstart, $3  }
0xbf: {  	[dreg:$0x1] =	wrdreg $0xFFFFFFFF  }
0xc0: {  	_ =	task.clear_ibuf [dreg:s6], $0x2FFFF;
	_ =	strace $0x9FFFFFFF  }
0xc1: {  	(tm) =	ssettm $0x7FFFFFFF  }
tec
execute0_lowered:
.L_overlay_start_1:
0x0: {  	(tag) =	ssettag $0x1  }
0x1: {  	s8 =	rddreg [dreg:$0x0]  }
0x2: {  	s0 =	rddreg [dreg:$0x1]  }
0x3: {  	s2 =	simm.s32 $0x0;
	s3 =	srdreg.scid;
	s1 =	stileid.u32  }
0x4: {  	s13 =	simm.s32 $0x1;
	s14 =	simm.s32 $0xA000;
	s15 =	simm.s32 $0x12000  }
0x5: {  	s16 =	simm.s32 $0x1000;
	s17 =	simm.s32 $0x80;
	s18 =	simm.s32 $0x400  }
0x6: {  	s19 =	simm.s32 $0x0;
	s6 =	sand.u32 $0x1, s3;
	s4 =	sshll.u32 s1, $0x1  }
0x7: {  	[smem:$0x7FF] =	sst s2;
	s3 =	sadd.s32 $0x1C00, s8;
	s9 =	sor.u32 s6, s4  }
0x8: {  	s7 =	sshll.u32 s1, $0xD;
	s5 =	sadd.s32 $0x82C00, s8;
	s10 =	sshll.u32 s9, $0x4  }
0x9: {  	_ =	strace $0x8000004A;
	s31 =	ssub.s32 $0x2, s6;
	s7 =	sor.u32 s7, s10  }
0xa: {  	s4 =	sadd.s32 $0x41C00, s8;
	s12 =	sshrl.u32 s31, $0x1;
	s11 =	sand.u32 $0x18070, s7  }
0xb: {  	s6 =	sadd.s32 $0x81C00, s8;
	s12 =	ssub.s32 s31, s12;
	s11 =	sadd.s32 s11, s8  }
0xc: {  	s7 =	sadd.s32 $0x83C00, s8;
	s8 =	sshll.u32 s9, $0xD;
	s9 =	sadd.s32 $0x83E00, s11  }
0xd: {  	v0 =	vimm.s32 $0x1;
	s10 =	sadd.s32 $0xA3E00, s11;
	s11 =	smax.u32 s12, $0x1;
	s12 =	simm.s32 $0x2000  }
.LBB2_1:
0xe: {  	[tilespmem:s12], [sflag:$0x1] =	stream.linear.gather [hbm4b:s5+s2], $0x8000, $0x38;
	[tilespmem:$0x12080] =	vst v63  }
0xf: {  	_ =	swait.ge [sflag:s13], $0x8000  }
0x10: {  	[sflag:s13] =	ssyncset.done $0x0  }
0x11: {  	[sflag:s13] =	ssyncadd.s32 $0xFFFF8000  }
0x12: {  	[tilespmem:s14], [sflag:$0x1] =	stream.linear.gather [hbm4b:s6+s2], $0x8000, $0x38;
	[tilespmem:$0x12080] =	vst v63  }
0x13: {  	_ =	swait.ge [sflag:s13], $0x8000  }
0x14: {  	[sflag:s13] =	ssyncset.done $0x0  }
0x15: {  	[sflag:s13] =	ssyncadd.s32 $0xFFFF8000  }
0x16: {  	[tilespmem:s15], [sflag:$0x1] =	stream.linear.gather [hbm4b:s7+s2], $0x80, $0x38;
	[tilespmem:$0x12080] =	vst v63  }
0x17: {  	_ =	swait.ge [sflag:s13], $0x80  }
0x18: {  	[sflag:s13] =	ssyncset.done $0x0  }
0x19: {  	[sflag:s13] =	ssyncadd.s32 $0xFFFFFF80  }
0x1a: {  	s20 =	simm.s32 $0x0;
	v1 =	vld [tilespmem:$0x12000]  }
.LBB2_2:
0x1b: {  	s21 =	sshll.u32 s20, $0x9  }
0x1c: {  	s22 =	sadd.s32 s8, s21  }
0x1d: {  	s21 =	simm.s32 $0x0;
	s23 =	sadd.s32 s3, s22  }
0x1e: {  	[tilespmem:s21], [sflag:$0x1] =	stream.linear.gather [hbm4b:s23+s21], $0x1000, $0x38;
	[tilespmem:$0x12080] =	vst v63  }
0x1f: {  	_ =	swait.ge [sflag:s13], $0x1000  }
0x20: {  	[sflag:s13] =	ssyncset.done $0x0  }
0x21: {  	s22 =	sadd.s32 s4, s22;
	[sflag:s13] =	ssyncadd.s32 $0xFFFFF000  }
0x22: {  	[tilespmem:s16], [sflag:$0x1] =	stream.linear.gather [hbm4b:s22+s21], $0x1000, $0x38;
	[tilespmem:$0x12080] =	vst v63  }
0x23: {  	_ =	swait.ge [sflag:s13], $0x1000  }
0x24: {  	[sflag:s13] =	ssyncset.done $0x0  }
0x25: {  	[sflag:s13] =	ssyncadd.s32 $0xFFFFF000  }
.LBB2_3:
0x26: {  	s22 =	sshra.s32 s21, $0x2  }
0x27: {  	v2 =	vld [tilespmem:s22+$0x0];
	_ =	sdelay $0x4  }
0x28: {  	v3 =	vshra.s32 v2, $0xF  }
0x29: {  	vm0 =	veq.s32 v3, v1  }
0x2a: {  	v2 =	vand.u32 $0x7FFF, v2  }
0x2b: {  	v3 =	vld [tilespmem:s22+$0x1000];
	_ =	sdelay $0x3  }
0x2c: {  	[tilespmem:v2+s12+$0x0] =	vst.idx.add.s32.msk vm0, v0  }
0x2d: {  	[tilespmem:v2+s14+$0x0] =	vst.idx.add.f32.msk vm0, v3  }
0x2e: {  	v2 =	vld [tilespmem:s22+$0x10];
	_ =	sdelay $0x4  }
0x2f: {  	v3 =	vshra.s32 v2, $0xF  }
0x30: {  	vm13 =	veq.s32 v3, v1  }
0x31: {  	v2 =	vand.u32 $0x7FFF, v2  }
0x32: {  	v3 =	vld [tilespmem:s22+$0x1010];
	_ =	sdelay $0x3  }
0x33: {  	[tilespmem:v2+s12+$0x0] =	vst.idx.add.s32.msk vm13, v0  }
0x34: {  	[tilespmem:v2+s14+$0x0] =	vst.idx.add.f32.msk vm13, v3  }
0x35: {  	v2 =	vld [tilespmem:s22+$0x20];
	_ =	sdelay $0x4  }
0x36: {  	v3 =	vshra.s32 v2, $0xF  }
0x37: {  	vm14 =	veq.s32 v3, v1  }
0x38: {  	v2 =	vand.u32 $0x7FFF, v2  }
0x39: {  	v3 =	vld [tilespmem:s22+$0x1020];
	_ =	sdelay $0x3  }
0x3a: {  	[tilespmem:v2+s12+$0x0] =	vst.idx.add.s32.msk vm14, v0  }
0x3b: {  	[tilespmem:v2+s14+$0x0] =	vst.idx.add.f32.msk vm14, v3  }
0x3c: {  	v2 =	vld [tilespmem:s22+$0x30];
	_ =	sdelay $0x4  }
0x3d: {  	v3 =	vshra.s32 v2, $0xF  }
0x3e: {  	vm15 =	veq.s32 v3, v1  }
0x3f: {  	v2 =	vand.u32 $0x7FFF, v2  }
0x40: {  	p0 =	sne.s32 s21, $0x3F00;
	v3 =	vld [tilespmem:s22+$0x1030]  }
.Ltmp0:
0x41: {  	_ = 	snop;
	(pc) =	sbr.rel @p0 .LBB2_3-.Ltmp0, $3  }
0x42: {  	_ =	sdelay $0x1  }
0x43: {  	[tilespmem:v2+s12+$0x0] =	vst.idx.add.s32.msk vm15, v0  }
0x44: {  	s21 =	sadd.s32 $0x100, s21;
	[tilespmem:v2+s14+$0x0] =	vst.idx.add.f32.msk vm15, v3  }
0x45: {  	s20 =	sadd.s32 $0x1, s20  }
0x46: {  	p0 =	sne.s32 s20, $0x10  }
.Ltmp1:
0x47: {  	_ = 	snop;
	(pc) =	sbr.rel @p0 .LBB2_2-.Ltmp1, $1  }
0x48: {  	_ =	sdelay $0x3  }
0x49: {  	[hbm4b:s9+s17] =	stream.strided.scatter [tilespmem:s12], [sflag:$0x1], $0x8000, s18, s17, $0x38;
	[tilespmem:$0x12080] =	vst v63  }
0x4a: {  	s19 =	sadd.s32 $0x1, s19;
	_ =	swait.ge [sflag:s13], $0x8000  }
0x4b: {  	p0 =	sne.s32 s19, s11;
	[sflag:s13] =	ssyncset.done $0x0  }
.Ltmp2:
0x4c: {  	[sflag:s13] =	ssyncadd.s32 $0xFFFF8000;
	(pc) =	sbr.rel @p0 .LBB2_1-.Ltmp2, $4  }
0x4d: {  	[hbm4b:s10+s17] =	stream.strided.scatter [tilespmem:s14], [sflag:$0x1], $0x8000, s18, s17, $0x38;
	[tilespmem:$0x12080] =	vst v63  }
0x4e: {  	_ =	swait.ge [sflag:s13], $0x8000  }
0x4f: {  	[sflag:s13] =	ssyncset.done $0x0  }
0x50: {  	[sflag:s13] =	ssyncadd.s32 $0xFFFF8000  }
0x51: {  	_ =	sfence.sel $0x180000  }
0x52: {  	[bflag:$0x0] =	sbarrier.arrive $0xFFFF  }
0x53: {  	p0 =	sne.s32 s1, $0x0;
	_ =	strace $0x9000004A  }
0x54: {  	s0 =	sadd.s32 @!p0 $0x100000, s0;
	[bflag:$0x2] =	sbarrier.arrive $0xFFFF  }
0x55: {  	[sflag:s0] =	ssyncadd.tile.s32 @!p0 $0x1;
	_ =	shalt  }
.Lfunc_end2:
_tile_overlayer_lowered:
.L_overlay_start_2:
0x56: {  	(tag) =	ssettag $0x2  }
0x57: {  	s0 =	rddreg [dreg:$0x0];
	s2 =	stileid.u32  }
0x58: {  	s1 =	rddreg [dreg:$0x1];
	p0 =	sne.s32 s2, $0x0  }
0x59: {  	s3 =	rddreg [dreg:$0x2];
	[bflag:$0x3] =	sbarrier.arrive $0xFFFF;
	s2 =	simm.s32 @!p0 $0x1C01  }
0x5a: {  	[timem:s3], [sflag:s2] =	dma.local @!p0 [hbm:s0], s1  }
0x5b: {  	s0 =	simm.s32 @!p0 $0x1  }
0x5c: {  	_ =	swait.ge @!p0 [sflag:s0], s1  }
0x5d: {  	s1 =	ssub.s32 @!p0 $0x0, s1;
	[sflag:s0] =	ssyncset.done @!p0 $0x0  }
0x5e: {  	[sflag:s0] =	ssyncadd.s32 @!p0 s1  }
0x5f: {  	[bflag:$0x3] =	sbarrier.arrive $0xFFFF  }
0x60: {  	_ =	shalt  }

// kernel: kernel.7.cloned.1.call-start
scs
__scs_entry_jumppad:
0x0: {  	(pc) =	sbr.rel $0x88, $3  }
0x1: {  	(tag) =	ssettag $0x0;
	lr =	simm.s32 $0x1  }
0x2: {  	[smem:$0x3F9F] =	sst lr;
	_ =	strace $0xD0000000  }
0x3: {  	_ = 	snop  }
0x4: {  	_ = 	snop  }
0x5: {  	_ = 	snop  }
0x6: {  	_ = 	snop  }
0x7: {  	_ = 	snop  }
__scs_overlays_trampoline_lowered:
0x8: {  	[smem:$0x3FAE] =	sst s0  }
0x9: {  	[smem:$0x3FAF] =	sst s1  }
0xa: {  	[smem:$0x3FB0] =	sst s2  }
0xb: {  	[smem:$0x3FB1] =	sst s3  }
0xc: {  	[smem:$0x3FB2] =	sst s4  }
0xd: {  	[smem:$0x3FB3] =	sst s5  }
0xe: {  	[smem:$0x3FB4] =	sst s6  }
0xf: {  	[smem:$0x3FB5] =	sst s7  }
0x10: {  	[smem:$0x3FB6] =	sst s8  }
0x11: {  	[smem:$0x3FB7] =	sst s9;
	s0 =	simm.s32 @!p0 $0x0  }
0x12: {  	s1 =	sld [smem:$0x3F9D];
	s0 =	simm.s32 @p0 $0x1  }
0x13: {  	[smem:$0x3FB8] =	sst s0;
	s0 =	simm.s32 @!p1 $0x0  }
0x14: {  	s2 =	sld [smem:$0x3F9C];
	s0 =	simm.s32 @p1 $0x1  }
0x15: {  	[smem:$0x3FB9] =	sst s0;
	s0 =	simm.s32 @!p2 $0x0  }
0x16: {  	s3 =	sld [smem:$0x3FDB];
	s0 =	simm.s32 @p2 $0x1  }
0x17: {  	s4 =	simm.s32 $0x1BF5;
	[smem:$0x3FBB] =	sst s0  }
0x18: {  	s0 =	sld [smem:$0x3F9E];
	_ =	swait.ge [sflag:s4], $0x0  }
0x19: {  	s7 =	sld [smem:$0x3F9F]  }
0x1a: {  	s8 =	sadd.s32 $0xFFFFE003, lr  }
0x1b: {  	s9 =	sadd.s32 $0xFFFFFEF7, lr;
	s5 =	simm.s32 $0xFFFFFFFF;
	p2 =	slt.u32 s8, $0xFFFFF086  }
0x1c: {  	p1 =	slt.u32 s9, $0xF7A;
	s5 =	simm.s32 @!p2 $0x0  }
0x1d: {  	s5 =	simm.s32 @p1 $0x1;
	p0 =	seq.s32 s7, s2  }
0x1e: {  	s7 =	smul.u32 @!p0 $0xF7A, s2;
	p2 =	seq.s32 @!p0 s5, $0x0  }
0x1f: {  	s9 =	smul.u32 $0xF7A, s1;
	s8 =	simm.s32 @!p0 $0x1BF5;
	p2 =	por !p2, p0  }
0x20: {  	[sflag:s8] =	ssyncset.s32 @!p0 $0xFFFFF086;
	s6 =	sadd.s32 @!p0 s3, s7;
	s7 =	simm.s32 @!p0 $0x108  }
0x21: {  	s3 =	sadd.s32 s3, s9;
	s6 =	sadd.s32 @!p0 $0x88, s6;
	s7 =	simm.s32 @p2 $0x1082  }
0x22: {  	[simem:s7], [sflag:s8] =	dma.local @!p0 [hbm:s6], $0xF7A  }
0x23: {  	s9 =	sor.u32 $0xD0000000, s2;
	s6 =	simm.s32 $0x108;
	_ =	swait.ge @!p0 [sflag:s8], $0x0  }
0x24: {  	s3 =	sadd.s32 $0x88, s3;
	s6 =	simm.s32 @!p1 $0x1082;
	[sflag:s4] =	ssyncset.s32 $0xFFFFF086  }
0x25: {  	[simem:s6], [sflag:s4] =	dma.local [hbm:s3], $0xF7A  }
0x26: {  	[smem:$0x3F9F] =	sst s1;
	(tag) =	ssettag s2;
	_ =	strace s9  }
0x27: {  	s1 =	sld [smem:$0x3FAF]  }
0x28: {  	s2 =	sld [smem:$0x3FB0]  }
0x29: {  	s4 =	sld [smem:$0x3FB2]  }
0x2a: {  	p0 =	seq.s32 s5, $0x0;
	s5 =	sld [smem:$0x3FB3]  }
0x2b: {  	s6 =	sld [smem:$0x3FB4]  }
0x2c: {  	s7 =	sld [smem:$0x3FB5]  }
0x2d: {  	s3 =	simm.s32 $0x108;
	s8 =	sld [smem:$0x3FB6]  }
0x2e: {  	s3 =	simm.s32 @!p0 $0x1082;
	s9 =	sld [smem:$0x3FB7]  }
0x2f: {  	lr =	sadd.s32 s0, s3;
	s0 =	sld [smem:$0x3FAE]  }
0x30: {  	s3 =	sld [smem:$0x3FB1]  }
0x31: {  	[smem:$0x3FBA] =	sst s10  }
0x32: {  	s10 =	sld [smem:$0x3FB8];
	_ =	sdelay $0x3  }
0x33: {  	p0 =	seq.s32 s10, $0x1;
	s10 =	sld [smem:$0x3FBA];
	_ =	sdelay $0x3  }
0x34: {  	[smem:$0x3FBA] =	sst s10  }
0x35: {  	s10 =	sld [smem:$0x3FB9];
	_ =	sdelay $0x3  }
0x36: {  	p1 =	seq.s32 s10, $0x1;
	s10 =	sld [smem:$0x3FBA];
	_ =	sdelay $0x3  }
0x37: {  	[smem:$0x3FBA] =	sst s10  }
0x38: {  	s10 =	sld [smem:$0x3FBB]  }
0x39: {  	_ = 	snop;
	(pc) =	sbr.ind lr, $3  }
0x3a: {  	_ = 	snop  }
0x3b: {  	_ = 	snop  }
0x3c: {  	p2 =	seq.s32 s10, $0x1;
	s10 =	sld [smem:$0x3FBA]  }
0x3d: {  	_ =	shalt  }
0x3e: {  	_ =	shalt  }
0x3f: {  	_ =	shalt  }
0x40: {  	_ =	shalt  }
0x41: {  	_ =	shalt  }
0x42: {  	_ =	shalt  }
0x43: {  	_ =	shalt  }
0x44: {  	_ =	shalt  }
0x45: {  	_ =	shalt  }
0x46: {  	_ =	shalt  }
0x47: {  	_ =	shalt  }
0x48: {  	_ =	shalt  }
0x49: {  	_ =	shalt  }
0x4a: {  	_ =	shalt  }
0x4b: {  	_ =	shalt  }
0x4c: {  	_ =	shalt  }
0x4d: {  	_ =	shalt  }
0x4e: {  	_ =	shalt  }
0x4f: {  	_ =	shalt  }
0x50: {  	_ =	shalt  }
0x51: {  	_ =	shalt  }
0x52: {  	_ =	shalt  }
0x53: {  	_ =	shalt  }
0x54: {  	_ =	shalt  }
0x55: {  	_ =	shalt  }
0x56: {  	_ =	shalt  }
0x57: {  	_ =	shalt  }
0x58: {  	_ =	shalt  }
0x59: {  	_ =	shalt  }
0x5a: {  	_ =	shalt  }
0x5b: {  	_ =	shalt  }
0x5c: {  	_ =	shalt  }
0x5d: {  	_ =	shalt  }
0x5e: {  	_ =	shalt  }
0x5f: {  	_ =	shalt  }
0x60: {  	_ =	shalt  }
0x61: {  	_ =	shalt  }
0x62: {  	_ =	shalt  }
0x63: {  	_ =	shalt  }
0x64: {  	_ =	shalt  }
0x65: {  	_ =	shalt  }
0x66: {  	_ =	shalt  }
0x67: {  	_ =	shalt  }
0x68: {  	_ =	shalt  }
0x69: {  	_ =	shalt  }
0x6a: {  	_ =	shalt  }
0x6b: {  	_ =	shalt  }
0x6c: {  	_ =	shalt  }
0x6d: {  	_ =	shalt  }
0x6e: {  	_ =	shalt  }
0x6f: {  	_ =	shalt  }
0x70: {  	_ =	shalt  }
0x71: {  	_ =	shalt  }
0x72: {  	_ =	shalt  }
0x73: {  	_ =	shalt  }
0x74: {  	_ =	shalt  }
0x75: {  	_ =	shalt  }
0x76: {  	_ =	shalt  }
0x77: {  	_ =	shalt  }
0x78: {  	_ =	shalt  }
0x79: {  	_ =	shalt  }
0x7a: {  	_ =	shalt  }
0x7b: {  	_ =	shalt  }
0x7c: {  	_ =	shalt  }
0x7d: {  	_ =	shalt  }
0x7e: {  	_ =	shalt  }
0x7f: {  	_ =	shalt  }
0x80: {  	_ =	shalt  }
0x81: {  	_ =	shalt  }
0x82: {  	_ =	shalt  }
0x83: {  	_ =	shalt  }
0x84: {  	_ =	shalt  }
0x85: {  	_ =	shalt  }
0x86: {  	_ =	shalt  }
0x87: {  	_ =	shalt  }
.Lfunc_end0:
.L_simem_size_0:
called_computation_lowered:
.L_overlay_start_0:
0x88: {  	s2 =	sld [smem:$0x3FD9]  }
0x89: {  	s3 =	sld [smem:$0x3FFE];
	_ =	sdelay $0x1  }
0x8a: {  	s1 =	srdreg.scid  }
0x8b: {  	s0 =	sand.u32 $0x1, s1  }
0x8c: {  	s16 =	sshll.u32 s0, $0xA;
	s2 =	sadd.s32 s3, s2  }
0x8d: {  	s2 =	sadd.s32 s2, s16  }
0x8e: {  	[smem:$0x3FC6] =	sst s2  }
0x8f: {  	_ = 	snop  }
0x90: {  	(tm) =	ssettm $0x1  }
0x91: {  	s17 =	sld [smem:$0x3FFB];
	_ =	sdelay $0x3  }
0x92: {  	_ =	strace s17  }
0x93: {  	s2 =	sld [smem:$0x3FFC];
	_ =	sdelay $0x3  }
0x94: {  	_ =	strace s2  }
0x95: {  	s2 =	sld [smem:$0x3FFD];
	_ =	sdelay $0x3  }
0x96: {  	_ =	strace s2  }
0x97: {  	_ =	strace $0x8FFFFFFF  }
0x98: {  	s18 =	sld [smem:$0x3FDB];
	_ =	sdelay $0x1  }
0x99: {  	s19 =	simm.s32 $_scs_section_size  }
0x9a: {  	s4 =	simm.s32 $_size__tile_overlayer_lowered;
	s5 =	simm.s32 $_tile_overlayer_lowered  }
0x9b: {  	s22 =	simm.s32 $0x1BFF;
	s21 =	sshll.u32 s5, $0x1;
	s2 =	sadd.s32 s19, s18  }
0x9c: {  	s6 =	simm.s32 $0x0;
	s20 =	sshll.u32 s4, $0x1;
	s4 =	sadd.s32 s21, s2  }
0x9d: {  	[timem:s6], [sflag:s22] =	dma.local [hbm:s4], s20  }
0x9e: {  	_ =	swait.ge [sflag:s22], s20  }
0x9f: {  	s3 =	ssub.s32 $0x0, s20;
	[sflag:s22] =	ssyncset.done $0x0  }
0xa0: {  	[sflag:s22] =	ssyncadd.s32 s3;
	_ =	sdelay $0x1  }
0xa1: {  	s23 =	simm.s32 $0x1B8B  }
0xa2: {  	_ =	swait.ge [sflag:s23], $0x1  }
0xa3: {  	[sflag:s23] =	ssyncset.done $0x0  }
0xa4: {  	s25 =	simm.s32 $0x1B8E;
	s24 =	sld [smem:$0x3FFE];
	[sflag:s23] =	ssyncadd.s32 $0xFFFFFFFF  }
0xa5: {  	s26 =	simm.s32 $execute0_lowered;
	[smem:$0x3FD2] =	sst s25  }
0xa6: {  	s4 =	sshll.u32 s26, $0x1;
	_ =	strace $0x80000046;
	[dreg:$0x1] =	wrdreg $0xFFFFFFFF  }
0xa7: {  	s28 =	simm.s32 $_size_execute0_lowered;
	s2 =	sadd.s32 s2, s4;
	[dreg:$0x0] =	wrdreg $0x0  }
0xa8: {  	s4 =	sshll.u32 s28, $0x1;
	[dreg:$0x2] =	wrdreg s2  }
0xa9: {  	[dreg:$0x3] =	wrdreg s4  }
0xaa: {  	[dreg:$0x4] =	wrdreg $0xC0  }
0xab: {  	_ =	task [dreg:s6], $0x5FFFF  }
0xac: {  	[dreg:$0x1] =	wrdreg $0xFFFFFFFF  }
0xad: {  	[dreg:$0x0] =	wrdreg $0x60  }
0xae: {  	[dreg:$0x2] =	wrdreg s24  }
0xaf: {  	[dreg:$0x3] =	wrdreg $0x9  }
0xb0: {  	_ =	task.clear_ibuf [dreg:s6], $0x4FFFF;
	_ =	strace $0x90000046  }
0xb1: {  	s29 =	simm.s32 $0x9;
	_ =	strace $0x80000048  }
0xb2: {  	_ =	swait.ge [sflag:s29], $0x1  }
0xb3: {  	[sflag:s29] =	ssyncadd.s32 $0xFFFFFFFF  }
0xb4: {  	_ =	strace $0x90000048  }
0xb5: {  	_ =	sfence  }
0xb6: {  	s30 =	sld [smem:$0x0];
	_ =	sdelay $0x2  }
0xb7: {  	s31 =	sshll.u32 s1, $0xD;
	s1 =	sshrl.u32 s1, $0x2  }
0xb8: {  	s3 =	sand.u32 $0x4000, s31;
	s1 =	sadd.s32 s1, s30  }
0xb9: {  	s0 =	sor.u32 s3, s0;
	s1 =	sshll.u32 s1, $0x11  }
0xba: {  	s0 =	sor.u32 s1, s0  }
0xbb: {  	s0 =	sadd.s32 $0x8F2B, s0  }
0xbc: {  	[sflag:s0] =	ssyncadd.remote.s32 $0x1  }
0xbd: {  	_ =	sfence.sel $0xFFFF  }
0xbe: {  	[dreg:$0x0] =	wrdreg $0xFFFFFFFF;
	(pc) =	sbr.abs _section_cstart, $3  }
0xbf: {  	[dreg:$0x1] =	wrdreg $0xFFFFFFFF  }
0xc0: {  	_ =	task.clear_ibuf [dreg:s6], $0x2FFFF;
	_ =	strace $0x9FFFFFFF  }
0xc1: {  	(tm) =	ssettm $0x7FFFFFFF  }
tec
execute0_lowered:
.L_overlay_start_1:
0x0: {  	(tag) =	ssettag $0x1  }
0x1: {  	s7 =	rddreg [dreg:$0x0]  }
0x2: {  	s0 =	rddreg [dreg:$0x1];
	s3 =	srdreg.scid  }
0x3: {  	s1 =	stileid.u32;
	s2 =	simm.s32 $0x0;
	s11 =	simm.s32 $0x2000  }
0x4: {  	s12 =	simm.s32 $0x1;
	s13 =	simm.s32 $0xA000;
	s14 =	simm.s32 $0x1000  }
0x5: {  	s15 =	simm.s32 $0x80;
	s16 =	simm.s32 $0x400;
	s17 =	simm.s32 $0x0  }
0x6: {  	s6 =	sand.u32 $0x1, s3;
	s30 =	sshll.u32 s1, $0x1;
	[smem:$0x7FF] =	sst s2  }
0x7: {  	s5 =	sshll.u32 s1, $0xD;
	s3 =	sadd.s32 $0x1C00, s7;
	s8 =	sor.u32 s6, s30  }
0x8: {  	s4 =	sadd.s32 $0x41C00, s7;
	s10 =	ssub.s32 $0x2, s6;
	s9 =	sshll.u32 s8, $0x4  }
0x9: {  	_ =	strace $0x80000047;
	s31 =	sshrl.u32 s10, $0x1;
	s9 =	sor.u32 s5, s9  }
0xa: {  	s6 =	sadd.s32 $0x81C00, s7;
	s10 =	ssub.s32 s10, s31;
	s9 =	sand.u32 $0x18070, s9  }
0xb: {  	s5 =	sadd.s32 $0x82C00, s7;
	s10 =	smax.u32 s10, $0x1;
	s9 =	sadd.s32 s9, s7  }
0xc: {  	v0 =	vimm.s32 $0x1;
	s7 =	sshll.u32 s8, $0xD;
	s8 =	sadd.s32 $0x83C00, s9;
	s9 =	sadd.s32 $0xA3C00, s9  }
.LBB2_1:
0xd: {  	[tilespmem:s11], [sflag:$0x1] =	stream.linear.gather [hbm4b:s5+s2], $0x8000, $0x38;
	[tilespmem:$0x12000] =	vst v63  }
0xe: {  	_ =	swait.ge [sflag:s12], $0x8000  }
0xf: {  	[sflag:s12] =	ssyncset.done $0x0  }
0x10: {  	[sflag:s12] =	ssyncadd.s32 $0xFFFF8000  }
0x11: {  	[tilespmem:s13], [sflag:$0x1] =	stream.linear.gather [hbm4b:s6+s2], $0x8000, $0x38;
	[tilespmem:$0x12000] =	vst v63  }
0x12: {  	_ =	swait.ge [sflag:s12], $0x8000  }
0x13: {  	[sflag:s12] =	ssyncset.done $0x0  }
0x14: {  	s18 =	simm.s32 $0x0;
	[sflag:s12] =	ssyncadd.s32 $0xFFFF8000  }
.LBB2_2:
0x15: {  	s19 =	sshll.u32 s18, $0x9  }
0x16: {  	s20 =	sadd.s32 s7, s19  }
0x17: {  	s19 =	simm.s32 $0x0;
	s21 =	sadd.s32 s3, s20  }
0x18: {  	[tilespmem:s19], [sflag:$0x1] =	stream.linear.gather [hbm4b:s21+s19], $0x1000, $0x38;
	[tilespmem:$0x12000] =	vst v63  }
0x19: {  	_ =	swait.ge [sflag:s12], $0x1000  }
0x1a: {  	[sflag:s12] =	ssyncset.done $0x0  }
0x1b: {  	s20 =	sadd.s32 s4, s20;
	[sflag:s12] =	ssyncadd.s32 $0xFFFFF000  }
0x1c: {  	[tilespmem:s14], [sflag:$0x1] =	stream.linear.gather [hbm4b:s20+s19], $0x1000, $0x38;
	[tilespmem:$0x12000] =	vst v63  }
0x1d: {  	_ =	swait.ge [sflag:s12], $0x1000  }
0x1e: {  	[sflag:s12] =	ssyncset.done $0x0  }
0x1f: {  	[sflag:s12] =	ssyncadd.s32 $0xFFFFF000  }
.LBB2_3:
0x20: {  	s20 =	sshra.s32 s19, $0x2  }
0x21: {  	v1 =	vld [tilespmem:s20+$0x0];
	_ =	sdelay $0x4  }
0x22: {  	v1 =	vshra.s32 v1, $0xF  }
0x23: {  	v2 =	vld [tilespmem:s20+$0x1000];
	_ =	sdelay $0x3  }
0x24: {  	[tilespmem:v1+s11+$0x0] =	vst.idx.add.s32.msk $0xffff, v0  }
0x25: {  	[tilespmem:v1+s13+$0x0] =	vst.idx.add.f32.msk $0xffff, v2  }
0x26: {  	v1 =	vld [tilespmem:s20+$0x10];
	_ =	sdelay $0x4  }
0x27: {  	v1 =	vshra.s32 v1, $0xF  }
0x28: {  	v2 =	vld [tilespmem:s20+$0x1010];
	_ =	sdelay $0x3  }
0x29: {  	[tilespmem:v1+s11+$0x0] =	vst.idx.add.s32.msk $0xffff, v0  }
0x2a: {  	[tilespmem:v1+s13+$0x0] =	vst.idx.add.f32.msk $0xffff, v2  }
0x2b: {  	v1 =	vld [tilespmem:s20+$0x20];
	_ =	sdelay $0x4  }
0x2c: {  	v1 =	vshra.s32 v1, $0xF  }
0x2d: {  	v2 =	vld [tilespmem:s20+$0x1020];
	_ =	sdelay $0x3  }
0x2e: {  	[tilespmem:v1+s11+$0x0] =	vst.idx.add.s32.msk $0xffff, v0  }
0x2f: {  	[tilespmem:v1+s13+$0x0] =	vst.idx.add.f32.msk $0xffff, v2  }
0x30: {  	v1 =	vld [tilespmem:s20+$0x30];
	_ =	sdelay $0x4  }
0x31: {  	v1 =	vshra.s32 v1, $0xF  }
0x32: {  	p0 =	sne.s32 s19, $0x3F00;
	v2 =	vld [tilespmem:s20+$0x1030]  }
.Ltmp0:
0x33: {  	_ = 	snop;
	(pc) =	sbr.rel @p0 .LBB2_3-.Ltmp0, $3  }
0x34: {  	_ =	sdelay $0x1  }
0x35: {  	[tilespmem:v1+s11+$0x0] =	vst.idx.add.s32.msk $0xffff, v0  }
0x36: {  	s19 =	sadd.s32 $0x100, s19;
	[tilespmem:v1+s13+$0x0] =	vst.idx.add.f32.msk $0xffff, v2  }
0x37: {  	s18 =	sadd.s32 $0x1, s18  }
0x38: {  	p0 =	sne.s32 s18, $0x10  }
.Ltmp1:
0x39: {  	_ = 	snop;
	(pc) =	sbr.rel @p0 .LBB2_2-.Ltmp1, $1  }
0x3a: {  	_ =	sdelay $0x3  }
0x3b: {  	[hbm4b:s8+s15] =	stream.strided.scatter [tilespmem:s11], [sflag:$0x1], $0x8000, s16, s15, $0x38;
	[tilespmem:$0x12000] =	vst v63  }
0x3c: {  	s17 =	sadd.s32 $0x1, s17;
	_ =	swait.ge [sflag:s12], $0x8000  }
0x3d: {  	p0 =	sne.s32 s17, s10;
	[sflag:s12] =	ssyncset.done $0x0  }
.Ltmp2:
0x3e: {  	[sflag:s12] =	ssyncadd.s32 $0xFFFF8000;
	(pc) =	sbr.rel @p0 .LBB2_1-.Ltmp2, $4  }
0x3f: {  	[hbm4b:s9+s15] =	stream.strided.scatter [tilespmem:s13], [sflag:$0x1], $0x8000, s16, s15, $0x38;
	[tilespmem:$0x12000] =	vst v63  }
0x40: {  	_ =	swait.ge [sflag:s12], $0x8000  }
0x41: {  	[sflag:s12] =	ssyncset.done $0x0  }
0x42: {  	[sflag:s12] =	ssyncadd.s32 $0xFFFF8000  }
0x43: {  	_ =	sfence.sel $0x180000  }
0x44: {  	[bflag:$0x0] =	sbarrier.arrive $0xFFFF  }
0x45: {  	p0 =	sne.s32 s1, $0x0;
	_ =	strace $0x90000047  }
0x46: {  	s0 =	sadd.s32 @!p0 $0x100000, s0;
	[bflag:$0x2] =	sbarrier.arrive $0xFFFF  }
0x47: {  	[sflag:s0] =	ssyncadd.tile.s32 @!p0 $0x1;
	_ =	shalt  }
.Lfunc_end2:
_tile_overlayer_lowered:
.L_overlay_start_2:
0x48: {  	(tag) =	ssettag $0x2  }
0x49: {  	s0 =	rddreg [dreg:$0x0];
	s2 =	stileid.u32  }
0x4a: {  	s1 =	rddreg [dreg:$0x1];
	p0 =	sne.s32 s2, $0x0  }
0x4b: {  	s3 =	rddreg [dreg:$0x2];
	[bflag:$0x3] =	sbarrier.arrive $0xFFFF;
	s2 =	simm.s32 @!p0 $0x1C01  }
0x4c: {  	[timem:s3], [sflag:s2] =	dma.local @!p0 [hbm:s0], s1  }
0x4d: {  	s0 =	simm.s32 @!p0 $0x1  }
0x4e: {  	_ =	swait.ge @!p0 [sflag:s0], s1  }
0x4f: {  	s1 =	ssub.s32 @!p0 $0x0, s1;
	[sflag:s0] =	ssyncset.done @!p0 $0x0  }
0x50: {  	[sflag:s0] =	ssyncadd.s32 @!p0 s1  }
0x51: {  	[bflag:$0x3] =	sbarrier.arrive $0xFFFF  }
0x52: {  	_ =	shalt  }

</sc_bundles>
